<compile_context>
chip_gen: v7x
topology: tpu7x:2x2x1
jax: 0.10.2.dev20260603
libtpu: 0.0.44.dev20260713+nightly
codegen_flags: <defaults>
</compile_context>

<pallas_src>
import functools

import jax
import jax.numpy as jnp
from jax import lax
from jax.experimental import pallas as pl
from jax.experimental.pallas import tpu as pltpu
from jax.experimental.pallas import tpu_sc as plsc

N = 10000
F = 128
O = 64
NC, NS, L = 2, 16, 16
NW = NC * NS
CH = 128
NROWS = 10112
RPT = NROWS // NS
TRASH = N
HROWS = 128

_mesh = plsc.VectorSubcoreMesh(
    core_axis_name="c", subcore_axis_name="s", num_cores=NC, num_subcores=NS
)


def _wid_rows():
    cid = lax.axis_index("c")
    sid = lax.axis_index("s")
    return cid, sid * NC + cid, sid * RPT


def _deg_body(nchunk, src_hbm, dst_hbm, zflat_hbm, dstm_out, deg_out,
              src_v, dst_v, dstm_v, hist_v):
    cid = lax.axis_index("c")
    sid = lax.axis_index("s")
    w = sid * NC + cid
    pltpu.sync_copy(zflat_hbm, hist_v)
    ones = jnp.full((L,), 1.0, jnp.float32)

    def chunk(j, carry):
        pltpu.sync_copy(src_hbm.at[w, j], src_v)
        pltpu.sync_copy(dst_hbm.at[w, j], dst_v)
        for i in range(CH // L):
            s = src_v[pl.ds(i * L, L)]
            d = dst_v[pl.ds(i * L, L)]
            dm = jnp.where(s == d, TRASH, d)
            dstm_v[pl.ds(i * L, L)] = dm
            plsc.addupdate_scatter(hist_v, [dm], ones)
        pltpu.sync_copy(dstm_v, dstm_out.at[w, j])
        return carry

    lax.fori_loop(0, nchunk, chunk, 0)
    pltpu.sync_copy(hist_v, deg_out.at[w])


def _prop_body(nchunk, g_hbm, src_hbm, dstm_hbm, zrows_hbm, agg_out,
               sidx_v, didx_v, rows_v, agg_sh):
    cid, w, row0 = _wid_rows()
    pltpu.sync_copy(zrows_hbm.at[pl.ds(row0, RPT)], agg_sh.at[pl.ds(row0, RPT)])
    plsc.subcore_barrier()

    def chunk(j, carry):
        pltpu.sync_copy(src_hbm.at[w, j], sidx_v)
        pltpu.sync_copy(dstm_hbm.at[w, j], didx_v)
        pltpu.sync_copy(g_hbm.at[sidx_v], rows_v)
        pltpu.sync_copy(rows_v, agg_sh.at[didx_v], add=True)
        return carry

    lax.fori_loop(0, nchunk, chunk, 0)
    plsc.subcore_barrier()
    pltpu.sync_copy(agg_sh.at[pl.ds(row0, RPT)], agg_out.at[cid, pl.ds(row0, RPT)])


def _make_deg_kernel(nchunk):
    return functools.partial(
        pl.kernel,
        out_type=(
            jax.ShapeDtypeStruct((NW, nchunk, CH), jnp.int32),
            jax.ShapeDtypeStruct((NW, HROWS * CH), jnp.float32),
        ),
        mesh=_mesh,
        scratch_types=[
            pltpu.VMEM((CH,), jnp.int32),
            pltpu.VMEM((CH,), jnp.int32),
            pltpu.VMEM((CH,), jnp.int32),
            pltpu.VMEM((HROWS * CH,), jnp.float32),
        ],
        compiler_params=pltpu.CompilerParams(needs_layout_passes=False),
    )(functools.partial(_deg_body, nchunk))


def _make_prop_kernel(nchunk):
    return functools.partial(
        pl.kernel,
        out_type=jax.ShapeDtypeStruct((NC, NROWS, F), jnp.float32),
        mesh=_mesh,
        scratch_types=[
            pltpu.VMEM((CH,), jnp.int32),
            pltpu.VMEM((CH,), jnp.int32),
            pltpu.VMEM((CH, F), jnp.float32),
            pltpu.VMEM_SHARED((NROWS, F), jnp.float32),
        ],
    )(functools.partial(_prop_body, nchunk))


def _tc_scale_body(deg_ref, feat_ref, g_out):
    deg = jnp.sum(deg_ref[...], axis=1, keepdims=True) + 1.0
    g_out[...] = feat_ref[...] * lax.rsqrt(deg)


def _tc_mid_body(deg_ref, agg_ref, g_ref, out_ref):
    inv_deg = 1.0 / (jnp.sum(deg_ref[...], axis=1, keepdims=True) + 1.0)
    a = agg_ref[...]
    out_ref[...] = (a[0, 0:N] + a[1, 0:N] + g_ref[...]) * inv_deg


def _tc_final_body(deg_ref, agg_ref, g_ref, wt_ref, b_ref, out_ref):
    norm = lax.rsqrt(jnp.sum(deg_ref[...], axis=1, keepdims=True) + 1.0)
    a = agg_ref[...]
    h = (a[0, 0:N] + a[1, 0:N] + g_ref[...]) * norm
    out_ref[...] = (
        jnp.dot(h, wt_ref[...], preferred_element_type=jnp.float32) + b_ref[...]
    )


@jax.jit
def kernel(features, edge_index, W, b):
    e = edge_index.shape[1]
    nchunk = -(-e // (NW * CH))
    epad = NW * nchunk * CH
    src = jnp.concatenate([edge_index[0], jnp.zeros((epad - e,), jnp.int32)])
    dst = jnp.concatenate([edge_index[1], jnp.zeros((epad - e,), jnp.int32)])
    src3 = src.reshape(NW, nchunk, CH)
    dst3 = dst.reshape(NW, nchunk, CH)
    zflat = jnp.zeros((HROWS * CH,), jnp.float32)
    zrows = jnp.zeros((NROWS, F), jnp.float32)

    dstm3, deg32 = _make_deg_kernel(nchunk)(src3, dst3, zflat)
    degp = deg32[:, :N].T

    g1 = pl.pallas_call(
        _tc_scale_body,
        out_shape=jax.ShapeDtypeStruct((N, F), jnp.float32),
    )(degp, features)

    prop = _make_prop_kernel(nchunk)
    agg1 = prop(g1, src3, dstm3, zrows)

    g2 = pl.pallas_call(
        _tc_mid_body,
        out_shape=jax.ShapeDtypeStruct((N, F), jnp.float32),
    )(degp, agg1, g1)

    agg2 = prop(g2, src3, dstm3, zrows)

    out = pl.pallas_call(
        _tc_final_body,
        out_shape=jax.ShapeDtypeStruct((N, O), jnp.float32),
    )(degp, agg2, g2, W.T, b.reshape(1, O))
    return out

# --- scband reference (transcript-rebuilt; emitter-appended) ---
"""Pipeline reference for scband-sgc-13391708028998 (READ-ONLY COPY).

The authoritative reference and input builder live on the scoring server;
editing this copy changes nothing except your own understanding.
"""

import jax, jax.numpy as jnp
import numpy as np

N_NODES = 10000
N_EDGES = 320000
IN_FEATS = 128
OUT_FEATS = 64
K = 2


def setup_inputs(seed: int = 0) -> dict:
    key = jax.random.key(seed)
    k1, k2, k3, k4 = jax.random.split(key, 4)
    features = jax.random.normal(k1, (N_NODES, IN_FEATS), dtype=jnp.float32)
    edge_index = jax.random.randint(k2, (2, N_EDGES), 0, N_NODES, dtype=jnp.int32)
    # Linear classifier parameters (nn.Linear(in_feats, out_feats, bias=True))
    W = jax.random.normal(k3, (OUT_FEATS, IN_FEATS), dtype=jnp.float32) * 0.05
    b = jax.random.normal(k4, (OUT_FEATS,), dtype=jnp.float32) * 0.05
    return {"features": features, "edge_index": edge_index, "W": W, "b": b}


def reference(features, edge_index, W, b):
    # SGC forward: h = S^K X (symmetric-normalized propagation with self-loops),
    # then logits = h @ W.T + b
    src = edge_index[0]
    dst = edge_index[1]
    # remove_self_loop then add_self_loop: existing self-loop edges are masked out,
    # and exactly one self-loop per node is (implicitly) added.
    mask = (src != dst).astype(features.dtype)
    # in-degrees of the self-looped graph: non-self-loop incoming edges + 1 self-loop
    deg = jax.ops.segment_sum(mask, dst, num_segments=N_NODES) + 1.0
    deg = jnp.clip(deg, 1.0)
    norm = (deg ** -0.5)[:, None]
    h = features
    for _ in range(K):
        h = h * norm
        # copy_u -> sum aggregation over edges (plus the added self-loop contribution h)
        agg = jax.ops.segment_sum(h[src] * mask[:, None], dst, num_segments=N_NODES) + h
        h = agg * norm
    return h @ W.T + b

if __name__ == "__main__":
    import jax
    _d = setup_inputs()
    print(jax.jit(kernel)(*tuple(_d.values())))

</pallas_src>

<mosaic_0001>
#map = affine_map<(d0, d1) -> (0, 0)>
#map1 = affine_map<(d0, d1) -> (0, 0, 0)>
module attributes {stable_mosaic.version = 14 : i64} {
  func.func @_prop_body(%arg0: i32, %arg1: i32, %arg2: memref<10000x128xf32, #tpu.memory_space<hbm>>, %arg3: memref<32x79x128xi32, #tpu.memory_space<hbm>>, %arg4: memref<32x79x128xi32, #tpu.memory_space<hbm>>, %arg5: memref<10112x128xf32, #tpu.memory_space<hbm>>, %arg6: memref<2x10112x128xf32, #tpu.memory_space<hbm>>, %arg7: memref<128xi32, #tpu.memory_space<vmem>>, %arg8: memref<128xi32, #tpu.memory_space<vmem>>, %arg9: memref<128x128xf32, #tpu.memory_space<vmem>>, %arg10: memref<10112x128xf32, #tpu.memory_space<vmem_shared>>) attributes {dimension_semantics = [#tpu.dimension_semantics<core_parallel>, #tpu.dimension_semantics<subcore_parallel>], iteration_bounds = array<i64: 2, 16>, scalar_prefetch = 0 : i64, scratch_operands = 4 : i64, tpu.core_type = #tpu.core_type<sc_vector_subcore>, window_params = [{transform_indices = #map}, {transform_indices = #map1}, {transform_indices = #map1}, {transform_indices = #map}, {transform_indices = #map1}]} {
    %mul3A = arith.constant 2 : i32
    %mul3A_0 = arith.muli %arg1, %mul3A : i32
    %add3A = arith.addi %mul3A_0, %arg0 : i32
    %mul3A_1 = arith.constant 632 : i32
    %mul3A_2 = arith.muli %arg1, %mul3A_1 : i32
    "tpu.region"() ({
      %run_scoped3A = tpu.sem_alloc : memref<!tpu.dma_semaphore, #tpu.memory_space<semaphore_mem>>
      %dma_start3A = arith.constant 0 : i32
      %dma_start3A_9 = tpu.memref_slice %arg10[%mul3A_2, %dma_start3A] : memref<10112x128xf32, #tpu.memory_space<vmem_shared>> -> memref<632x128xf32, #tpu.memory_space<vmem_shared>>
      %dma_start3A_10 = arith.constant 0 : i32
      %dma_start3A_11 = tpu.memref_slice %arg5[%mul3A_2, %dma_start3A_10] : memref<10112x128xf32, #tpu.memory_space<hbm>> -> memref<632x128xf32, #tpu.memory_space<hbm>>
      tpu.enqueue_dma source(%dma_start3A_11 : memref<632x128xf32, #tpu.memory_space<hbm>>) target(%dma_start3A_9 : memref<632x128xf32, #tpu.memory_space<vmem_shared>>) target_semaphore(%run_scoped3A : memref<!tpu.dma_semaphore, #tpu.memory_space<semaphore_mem>>)
      %dma_wait3A = arith.constant 0 : i32
      %dma_wait3A_12 = tpu.memref_slice %arg10[%mul3A_2, %dma_wait3A] : memref<10112x128xf32, #tpu.memory_space<vmem_shared>> -> memref<632x128xf32, #tpu.memory_space<vmem_shared>>
      %dma_wait3A_13 = arith.constant 0 : i32
      %dma_wait3A_14 = tpu.memref_slice %arg5[%mul3A_2, %dma_wait3A_13] : memref<10112x128xf32, #tpu.memory_space<hbm>> -> memref<632x128xf32, #tpu.memory_space<hbm>>
      tpu.wait_dma2 semaphore(%run_scoped3A : memref<!tpu.dma_semaphore, #tpu.memory_space<semaphore_mem>>) src(%dma_wait3A_14 : memref<632x128xf32, #tpu.memory_space<hbm>>) dst(%dma_wait3A_12 : memref<632x128xf32, #tpu.memory_space<vmem_shared>>)
      tpu.yield
    }) : () -> ()
    %barrier3A = arith.constant 0 : index
    tpu.barrier barrier_id(%barrier3A)
    %scan3A = arith.constant 0 : i32
    %scan3A_3 = arith.constant 0 : i32
    %scan3A_4 = arith.constant 79 : i32
    %scan3A_5 = arith.addi %scan3A_3, %scan3A_4 : i32
    %scan3A_6 = arith.constant 1 : i32
    scf.for %scan3A_9 = %scan3A_3 to %scan3A_5 step %scan3A_6  : i32 {
      "tpu.region"() ({
        %run_scoped3A = tpu.sem_alloc : memref<!tpu.dma_semaphore, #tpu.memory_space<semaphore_mem>>
        %dma_start3A = arith.constant 0 : i32
        %dma_start3A_10 = tpu.memref_slice %arg3[%add3A, %scan3A_9, %dma_start3A] : memref<32x79x128xi32, #tpu.memory_space<hbm>> -> memref<1x1x128xi32, #tpu.memory_space<hbm>>
        %dma_start3A_11 = tpu.memref_squeeze %dma_start3A_10 : memref<1x1x128xi32, #tpu.memory_space<hbm>> -> memref<128xi32, #tpu.memory_space<hbm>>
        %dma_start3A_12 = arith.constant 0 : i32
        %dma_start3A_13 = tpu.memref_slice %arg3[%add3A, %scan3A_9, %dma_start3A_12] : memref<32x79x128xi32, #tpu.memory_space<hbm>> -> memref<1x1x128xi32, #tpu.memory_space<hbm>>
        %dma_start3A_14 = tpu.memref_squeeze %dma_start3A_13 : memref<1x1x128xi32, #tpu.memory_space<hbm>> -> memref<128xi32, #tpu.memory_space<hbm>>
        tpu.enqueue_dma source(%dma_start3A_14 : memref<128xi32, #tpu.memory_space<hbm>>) target(%arg7 : memref<128xi32, #tpu.memory_space<vmem>>) target_semaphore(%run_scoped3A : memref<!tpu.dma_semaphore, #tpu.memory_space<semaphore_mem>>)
        %dma_wait3A = arith.constant 0 : i32
        %dma_wait3A_15 = tpu.memref_slice %arg3[%add3A, %scan3A_9, %dma_wait3A] : memref<32x79x128xi32, #tpu.memory_space<hbm>> -> memref<1x1x128xi32, #tpu.memory_space<hbm>>
        %dma_wait3A_16 = tpu.memref_squeeze %dma_wait3A_15 : memref<1x1x128xi32, #tpu.memory_space<hbm>> -> memref<128xi32, #tpu.memory_space<hbm>>
        %dma_wait3A_17 = arith.constant 0 : i32
        %dma_wait3A_18 = tpu.memref_slice %arg3[%add3A, %scan3A_9, %dma_wait3A_17] : memref<32x79x128xi32, #tpu.memory_space<hbm>> -> memref<1x1x128xi32, #tpu.memory_space<hbm>>
        %dma_wait3A_19 = tpu.memref_squeeze %dma_wait3A_18 : memref<1x1x128xi32, #tpu.memory_space<hbm>> -> memref<128xi32, #tpu.memory_space<hbm>>
        tpu.wait_dma2 semaphore(%run_scoped3A : memref<!tpu.dma_semaphore, #tpu.memory_space<semaphore_mem>>) src(%dma_wait3A_19 : memref<128xi32, #tpu.memory_space<hbm>>) dst(%arg7 : memref<128xi32, #tpu.memory_space<vmem>>)
        tpu.yield
      }) : () -> ()
      "tpu.region"() ({
        %run_scoped3A = tpu.sem_alloc : memref<!tpu.dma_semaphore, #tpu.memory_space<semaphore_mem>>
        %dma_start3A = arith.constant 0 : i32
        %dma_start3A_10 = tpu.memref_slice %arg4[%add3A, %scan3A_9, %dma_start3A] : memref<32x79x128xi32, #tpu.memory_space<hbm>> -> memref<1x1x128xi32, #tpu.memory_space<hbm>>
        %dma_start3A_11 = tpu.memref_squeeze %dma_start3A_10 : memref<1x1x128xi32, #tpu.memory_space<hbm>> -> memref<128xi32, #tpu.memory_space<hbm>>
        %dma_start3A_12 = arith.constant 0 : i32
        %dma_start3A_13 = tpu.memref_slice %arg4[%add3A, %scan3A_9, %dma_start3A_12] : memref<32x79x128xi32, #tpu.memory_space<hbm>> -> memref<1x1x128xi32, #tpu.memory_space<hbm>>
        %dma_start3A_14 = tpu.memref_squeeze %dma_start3A_13 : memref<1x1x128xi32, #tpu.memory_space<hbm>> -> memref<128xi32, #tpu.memory_space<hbm>>
        tpu.enqueue_dma source(%dma_start3A_14 : memref<128xi32, #tpu.memory_space<hbm>>) target(%arg8 : memref<128xi32, #tpu.memory_space<vmem>>) target_semaphore(%run_scoped3A : memref<!tpu.dma_semaphore, #tpu.memory_space<semaphore_mem>>)
        %dma_wait3A = arith.constant 0 : i32
        %dma_wait3A_15 = tpu.memref_slice %arg4[%add3A, %scan3A_9, %dma_wait3A] : memref<32x79x128xi32, #tpu.memory_space<hbm>> -> memref<1x1x128xi32, #tpu.memory_space<hbm>>
        %dma_wait3A_16 = tpu.memref_squeeze %dma_wait3A_15 : memref<1x1x128xi32, #tpu.memory_space<hbm>> -> memref<128xi32, #tpu.memory_space<hbm>>
        %dma_wait3A_17 = arith.constant 0 : i32
        %dma_wait3A_18 = tpu.memref_slice %arg4[%add3A, %scan3A_9, %dma_wait3A_17] : memref<32x79x128xi32, #tpu.memory_space<hbm>> -> memref<1x1x128xi32, #tpu.memory_space<hbm>>
        %dma_wait3A_19 = tpu.memref_squeeze %dma_wait3A_18 : memref<1x1x128xi32, #tpu.memory_space<hbm>> -> memref<128xi32, #tpu.memory_space<hbm>>
        tpu.wait_dma2 semaphore(%run_scoped3A : memref<!tpu.dma_semaphore, #tpu.memory_space<semaphore_mem>>) src(%dma_wait3A_19 : memref<128xi32, #tpu.memory_space<hbm>>) dst(%arg8 : memref<128xi32, #tpu.memory_space<vmem>>)
        tpu.yield
      }) : () -> ()
      "tpu.region"() ({
        %run_scoped3A = tpu.sem_alloc : memref<!tpu.dma_semaphore, #tpu.memory_space<semaphore_mem>>
        %dma_start3A = arith.constant 0 : i32
        %dma_start3A_10 = arith.constant 0 : i32
        %dma_start3A_11 = tpu.memref_slice %arg2[%dma_start3A, %dma_start3A_10] : memref<10000x128xf32, #tpu.memory_space<hbm>> -> memref<10000x128xf32, #tpu.memory_space<hbm>>
        tpu.enqueue_indirect_dma source(%dma_start3A_11 : memref<10000x128xf32, #tpu.memory_space<hbm>>) target(%arg9 : memref<128x128xf32, #tpu.memory_space<vmem>>) offsets(%arg7 : memref<128xi32, #tpu.memory_space<vmem>>) semaphore(%run_scoped3A : memref<!tpu.dma_semaphore, #tpu.memory_space<semaphore_mem>>)
        %dma_wait3A = arith.constant 0 : i32
        %dma_wait3A_12 = arith.constant 0 : i32
        %dma_wait3A_13 = tpu.memref_slice %arg2[%dma_wait3A, %dma_wait3A_12] : memref<10000x128xf32, #tpu.memory_space<hbm>> -> memref<10000x128xf32, #tpu.memory_space<hbm>>
        tpu.wait_indirect_dma semaphore(%run_scoped3A : memref<!tpu.dma_semaphore, #tpu.memory_space<semaphore_mem>>) src(%dma_wait3A_13 : memref<10000x128xf32, #tpu.memory_space<hbm>>) dst(%arg9 : memref<128x128xf32, #tpu.memory_space<vmem>>)
        tpu.yield
      }) : () -> ()
      "tpu.region"() ({
        %run_scoped3A = tpu.sem_alloc : memref<!tpu.dma_semaphore, #tpu.memory_space<semaphore_mem>>
        %dma_start3A = arith.constant 0 : i32
        %dma_start3A_10 = arith.constant 0 : i32
        %dma_start3A_11 = tpu.memref_slice %arg10[%dma_start3A, %dma_start3A_10] : memref<10112x128xf32, #tpu.memory_space<vmem_shared>> -> memref<10112x128xf32, #tpu.memory_space<vmem_shared>>
        tpu.enqueue_indirect_dma source(%arg9 : memref<128x128xf32, #tpu.memory_space<vmem>>) target(%dma_start3A_11 : memref<10112x128xf32, #tpu.memory_space<vmem_shared>>) offsets(%arg8 : memref<128xi32, #tpu.memory_space<vmem>>) semaphore(%run_scoped3A : memref<!tpu.dma_semaphore, #tpu.memory_space<semaphore_mem>>) {add = true}
        %dma_wait3A = arith.constant 0 : i32
        %dma_wait3A_12 = arith.constant 0 : i32
        %dma_wait3A_13 = tpu.memref_slice %arg10[%dma_wait3A, %dma_wait3A_12] : memref<10112x128xf32, #tpu.memory_space<vmem_shared>> -> memref<10112x128xf32, #tpu.memory_space<vmem_shared>>
        tpu.wait_indirect_dma semaphore(%run_scoped3A : memref<!tpu.dma_semaphore, #tpu.memory_space<semaphore_mem>>) src(%arg9 : memref<128x128xf32, #tpu.memory_space<vmem>>) dst(%dma_wait3A_13 : memref<10112x128xf32, #tpu.memory_space<vmem_shared>>)
        tpu.yield
      }) : () -> ()
    }
    %scan3A_7 = arith.constant 79 : i32
    %barrier3A_8 = arith.constant 0 : index
    tpu.barrier barrier_id(%barrier3A_8)
    "tpu.region"() ({
      %run_scoped3A = tpu.sem_alloc : memref<!tpu.dma_semaphore, #tpu.memory_space<semaphore_mem>>
      %dma_start3A = arith.constant 0 : i32
      %dma_start3A_9 = tpu.memref_slice %arg6[%arg0, %mul3A_2, %dma_start3A] : memref<2x10112x128xf32, #tpu.memory_space<hbm>> -> memref<1x632x128xf32, #tpu.memory_space<hbm>>
      %dma_start3A_10 = tpu.memref_squeeze %dma_start3A_9 : memref<1x632x128xf32, #tpu.memory_space<hbm>> -> memref<632x128xf32, #tpu.memory_space<hbm>>
      %dma_start3A_11 = arith.constant 0 : i32
      %dma_start3A_12 = tpu.memref_slice %arg10[%mul3A_2, %dma_start3A_11] : memref<10112x128xf32, #tpu.memory_space<vmem_shared>> -> memref<632x128xf32, #tpu.memory_space<vmem_shared>>
      tpu.enqueue_dma source(%dma_start3A_12 : memref<632x128xf32, #tpu.memory_space<vmem_shared>>) target(%dma_start3A_10 : memref<632x128xf32, #tpu.memory_space<hbm>>) target_semaphore(%run_scoped3A : memref<!tpu.dma_semaphore, #tpu.memory_space<semaphore_mem>>)
      %dma_wait3A = arith.constant 0 : i32
      %dma_wait3A_13 = tpu.memref_slice %arg6[%arg0, %mul3A_2, %dma_wait3A] : memref<2x10112x128xf32, #tpu.memory_space<hbm>> -> memref<1x632x128xf32, #tpu.memory_space<hbm>>
      %dma_wait3A_14 = tpu.memref_squeeze %dma_wait3A_13 : memref<1x632x128xf32, #tpu.memory_space<hbm>> -> memref<632x128xf32, #tpu.memory_space<hbm>>
      %dma_wait3A_15 = arith.constant 0 : i32
      %dma_wait3A_16 = tpu.memref_slice %arg10[%mul3A_2, %dma_wait3A_15] : memref<10112x128xf32, #tpu.memory_space<vmem_shared>> -> memref<632x128xf32, #tpu.memory_space<vmem_shared>>
      tpu.wait_dma2 semaphore(%run_scoped3A : memref<!tpu.dma_semaphore, #tpu.memory_space<semaphore_mem>>) src(%dma_wait3A_16 : memref<632x128xf32, #tpu.memory_space<vmem_shared>>) dst(%dma_wait3A_14 : memref<632x128xf32, #tpu.memory_space<hbm>>)
      tpu.yield
    }) : () -> ()
    return
  }
}

#map = affine_map<(d0, d1) -> (0, 0)>
#map1 = affine_map<(d0, d1) -> (0, 0, 0)>
module attributes {stable_mosaic.version = 14 : i64} {
  func.func @_prop_body(%arg0: i32, %arg1: i32, %arg2: memref<10000x128xf32, #tpu.memory_space<hbm>>, %arg3: memref<32x79x128xi32, #tpu.memory_space<hbm>>, %arg4: memref<32x79x128xi32, #tpu.memory_space<hbm>>, %arg5: memref<10112x128xf32, #tpu.memory_space<hbm>>, %arg6: memref<2x10112x128xf32, #tpu.memory_space<hbm>>, %arg7: memref<128xi32, #tpu.memory_space<vmem>>, %arg8: memref<128xi32, #tpu.memory_space<vmem>>, %arg9: memref<128x128xf32, #tpu.memory_space<vmem>>, %arg10: memref<10112x128xf32, #tpu.memory_space<vmem_shared>>) attributes {dimension_semantics = [#tpu.dimension_semantics<core_parallel>, #tpu.dimension_semantics<subcore_parallel>], iteration_bounds = array<i64: 2, 16>, scalar_prefetch = 0 : i64, scratch_operands = 4 : i64, tpu.core_type = #tpu.core_type<sc_vector_subcore>, window_params = [{transform_indices = #map}, {transform_indices = #map1}, {transform_indices = #map1}, {transform_indices = #map}, {transform_indices = #map1}]} {
    %mul3A = arith.constant 2 : i32
    %mul3A_0 = arith.muli %arg1, %mul3A : i32
    %add3A = arith.addi %mul3A_0, %arg0 : i32
    %mul3A_1 = arith.constant 632 : i32
    %mul3A_2 = arith.muli %arg1, %mul3A_1 : i32
    "tpu.region"() ({
      %run_scoped3A = tpu.sem_alloc : memref<!tpu.dma_semaphore, #tpu.memory_space<semaphore_mem>>
      %dma_start3A = arith.constant 0 : i32
      %dma_start3A_9 = tpu.memref_slice %arg10[%mul3A_2, %dma_start3A] : memref<10112x128xf32, #tpu.memory_space<vmem_shared>> -> memref<632x128xf32, #tpu.memory_space<vmem_shared>>
      %dma_start3A_10 = arith.constant 0 : i32
      %dma_start3A_11 = tpu.memref_slice %arg5[%mul3A_2, %dma_start3A_10] : memref<10112x128xf32, #tpu.memory_space<hbm>> -> memref<632x128xf32, #tpu.memory_space<hbm>>
      tpu.enqueue_dma source(%dma_start3A_11 : memref<632x128xf32, #tpu.memory_space<hbm>>) target(%dma_start3A_9 : memref<632x128xf32, #tpu.memory_space<vmem_shared>>) target_semaphore(%run_scoped3A : memref<!tpu.dma_semaphore, #tpu.memory_space<semaphore_mem>>)
      %dma_wait3A = arith.constant 0 : i32
      %dma_wait3A_12 = tpu.memref_slice %arg10[%mul3A_2, %dma_wait3A] : memref<10112x128xf32, #tpu.memory_space<vmem_shared>> -> memref<632x128xf32, #tpu.memory_space<vmem_shared>>
      %dma_wait3A_13 = arith.constant 0 : i32
      %dma_wait3A_14 = tpu.memref_slice %arg5[%mul3A_2, %dma_wait3A_13] : memref<10112x128xf32, #tpu.memory_space<hbm>> -> memref<632x128xf32, #tpu.memory_space<hbm>>
      tpu.wait_dma2 semaphore(%run_scoped3A : memref<!tpu.dma_semaphore, #tpu.memory_space<semaphore_mem>>) src(%dma_wait3A_14 : memref<632x128xf32, #tpu.memory_space<hbm>>) dst(%dma_wait3A_12 : memref<632x128xf32, #tpu.memory_space<vmem_shared>>)
      tpu.yield
    }) : () -> ()
    %barrier3A = arith.constant 0 : index
    tpu.barrier barrier_id(%barrier3A)
    %scan3A = arith.constant 0 : i32
    %scan3A_3 = arith.constant 0 : i32
    %scan3A_4 = arith.constant 79 : i32
    %scan3A_5 = arith.addi %scan3A_3, %scan3A_4 : i32
    %scan3A_6 = arith.constant 1 : i32
    scf.for %scan3A_9 = %scan3A_3 to %scan3A_5 step %scan3A_6  : i32 {
      "tpu.region"() ({
        %run_scoped3A = tpu.sem_alloc : memref<!tpu.dma_semaphore, #tpu.memory_space<semaphore_mem>>
        %dma_start3A = arith.constant 0 : i32
        %dma_start3A_10 = tpu.memref_slice %arg3[%add3A, %scan3A_9, %dma_start3A] : memref<32x79x128xi32, #tpu.memory_space<hbm>> -> memref<1x1x128xi32, #tpu.memory_space<hbm>>
        %dma_start3A_11 = tpu.memref_squeeze %dma_start3A_10 : memref<1x1x128xi32, #tpu.memory_space<hbm>> -> memref<128xi32, #tpu.memory_space<hbm>>
        %dma_start3A_12 = arith.constant 0 : i32
        %dma_start3A_13 = tpu.memref_slice %arg3[%add3A, %scan3A_9, %dma_start3A_12] : memref<32x79x128xi32, #tpu.memory_space<hbm>> -> memref<1x1x128xi32, #tpu.memory_space<hbm>>
        %dma_start3A_14 = tpu.memref_squeeze %dma_start3A_13 : memref<1x1x128xi32, #tpu.memory_space<hbm>> -> memref<128xi32, #tpu.memory_space<hbm>>
        tpu.enqueue_dma source(%dma_start3A_14 : memref<128xi32, #tpu.memory_space<hbm>>) target(%arg7 : memref<128xi32, #tpu.memory_space<vmem>>) target_semaphore(%run_scoped3A : memref<!tpu.dma_semaphore, #tpu.memory_space<semaphore_mem>>)
        %dma_wait3A = arith.constant 0 : i32
        %dma_wait3A_15 = tpu.memref_slice %arg3[%add3A, %scan3A_9, %dma_wait3A] : memref<32x79x128xi32, #tpu.memory_space<hbm>> -> memref<1x1x128xi32, #tpu.memory_space<hbm>>
        %dma_wait3A_16 = tpu.memref_squeeze %dma_wait3A_15 : memref<1x1x128xi32, #tpu.memory_space<hbm>> -> memref<128xi32, #tpu.memory_space<hbm>>
        %dma_wait3A_17 = arith.constant 0 : i32
        %dma_wait3A_18 = tpu.memref_slice %arg3[%add3A, %scan3A_9, %dma_wait3A_17] : memref<32x79x128xi32, #tpu.memory_space<hbm>> -> memref<1x1x128xi32, #tpu.memory_space<hbm>>
        %dma_wait3A_19 = tpu.memref_squeeze %dma_wait3A_18 : memref<1x1x128xi32, #tpu.memory_space<hbm>> -> memref<128xi32, #tpu.memory_space<hbm>>
        tpu.wait_dma2 semaphore(%run_scoped3A : memref<!tpu.dma_semaphore, #tpu.memory_space<semaphore_mem>>) src(%dma_wait3A_19 : memref<128xi32, #tpu.memory_space<hbm>>) dst(%arg7 : memref<128xi32, #tpu.memory_space<vmem>>)
        tpu.yield
      }) : () -> ()
      "tpu.region"() ({
        %run_scoped3A = tpu.sem_alloc : memref<!tpu.dma_semaphore, #tpu.memory_space<semaphore_mem>>
        %dma_start3A = arith.constant 0 : i32
        %dma_start3A_10 = tpu.memref_slice %arg4[%add3A, %scan3A_9, %dma_start3A] : memref<32x79x128xi32, #tpu.memory_space<hbm>> -> memref<1x1x128xi32, #tpu.memory_space<hbm>>
        %dma_start3A_11 = tpu.memref_squeeze %dma_start3A_10 : memref<1x1x128xi32, #tpu.memory_space<hbm>> -> memref<128xi32, #tpu.memory_space<hbm>>
        %dma_start3A_12 = arith.constant 0 : i32
        %dma_start3A_13 = tpu.memref_slice %arg4[%add3A, %scan3A_9, %dma_start3A_12] : memref<32x79x128xi32, #tpu.memory_space<hbm>> -> memref<1x1x128xi32, #tpu.memory_space<hbm>>
        %dma_start3A_14 = tpu.memref_squeeze %dma_start3A_13 : memref<1x1x128xi32, #tpu.memory_space<hbm>> -> memref<128xi32, #tpu.memory_space<hbm>>
        tpu.enqueue_dma source(%dma_start3A_14 : memref<128xi32, #tpu.memory_space<hbm>>) target(%arg8 : memref<128xi32, #tpu.memory_space<vmem>>) target_semaphore(%run_scoped3A : memref<!tpu.dma_semaphore, #tpu.memory_space<semaphore_mem>>)
        %dma_wait3A = arith.constant 0 : i32
        %dma_wait3A_15 = tpu.memref_slice %arg4[%add3A, %scan3A_9, %dma_wait3A] : memref<32x79x128xi32, #tpu.memory_space<hbm>> -> memref<1x1x128xi32, #tpu.memory_space<hbm>>
        %dma_wait3A_16 = tpu.memref_squeeze %dma_wait3A_15 : memref<1x1x128xi32, #tpu.memory_space<hbm>> -> memref<128xi32, #tpu.memory_space<hbm>>
        %dma_wait3A_17 = arith.constant 0 : i32
        %dma_wait3A_18 = tpu.memref_slice %arg4[%add3A, %scan3A_9, %dma_wait3A_17] : memref<32x79x128xi32, #tpu.memory_space<hbm>> -> memref<1x1x128xi32, #tpu.memory_space<hbm>>
        %dma_wait3A_19 = tpu.memref_squeeze %dma_wait3A_18 : memref<1x1x128xi32, #tpu.memory_space<hbm>> -> memref<128xi32, #tpu.memory_space<hbm>>
        tpu.wait_dma2 semaphore(%run_scoped3A : memref<!tpu.dma_semaphore, #tpu.memory_space<semaphore_mem>>) src(%dma_wait3A_19 : memref<128xi32, #tpu.memory_space<hbm>>) dst(%arg8 : memref<128xi32, #tpu.memory_space<vmem>>)
        tpu.yield
      }) : () -> ()
      "tpu.region"() ({
        %run_scoped3A = tpu.sem_alloc : memref<!tpu.dma_semaphore, #tpu.memory_space<semaphore_mem>>
        %dma_start3A = arith.constant 0 : i32
        %dma_start3A_10 = arith.constant 0 : i32
        %dma_start3A_11 = tpu.memref_slice %arg2[%dma_start3A, %dma_start3A_10] : memref<10000x128xf32, #tpu.memory_space<hbm>> -> memref<10000x128xf32, #tpu.memory_space<hbm>>
        tpu.enqueue_indirect_dma source(%dma_start3A_11 : memref<10000x128xf32, #tpu.memory_space<hbm>>) target(%arg9 : memref<128x128xf32, #tpu.memory_space<vmem>>) offsets(%arg7 : memref<128xi32, #tpu.memory_space<vmem>>) semaphore(%run_scoped3A : memref<!tpu.dma_semaphore, #tpu.memory_space<semaphore_mem>>)
        %dma_wait3A = arith.constant 0 : i32
        %dma_wait3A_12 = arith.constant 0 : i32
        %dma_wait3A_13 = tpu.memref_slice %arg2[%dma_wait3A, %dma_wait3A_12] : memref<10000x128xf32, #tpu.memory_space<hbm>> -> memref<10000x128xf32, #tpu.memory_space<hbm>>
        tpu.wait_indirect_dma semaphore(%run_scoped3A : memref<!tpu.dma_semaphore, #tpu.memory_space<semaphore_mem>>) src(%dma_wait3A_13 : memref<10000x128xf32, #tpu.memory_space<hbm>>) dst(%arg9 : memref<128x128xf32, #tpu.memory_space<vmem>>)
        tpu.yield
      }) : () -> ()
      "tpu.region"() ({
        %run_scoped3A = tpu.sem_alloc : memref<!tpu.dma_semaphore, #tpu.memory_space<semaphore_mem>>
        %dma_start3A = arith.constant 0 : i32
        %dma_start3A_10 = arith.constant 0 : i32
        %dma_start3A_11 = tpu.memref_slice %arg10[%dma_start3A, %dma_start3A_10] : memref<10112x128xf32, #tpu.memory_space<vmem_shared>> -> memref<10112x128xf32, #tpu.memory_space<vmem_shared>>
        tpu.enqueue_indirect_dma source(%arg9 : memref<128x128xf32, #tpu.memory_space<vmem>>) target(%dma_start3A_11 : memref<10112x128xf32, #tpu.memory_space<vmem_shared>>) offsets(%arg8 : memref<128xi32, #tpu.memory_space<vmem>>) semaphore(%run_scoped3A : memref<!tpu.dma_semaphore, #tpu.memory_space<semaphore_mem>>) {add = true}
        %dma_wait3A = arith.constant 0 : i32
        %dma_wait3A_12 = arith.constant 0 : i32
        %dma_wait3A_13 = tpu.memref_slice %arg10[%dma_wait3A, %dma_wait3A_12] : memref<10112x128xf32, #tpu.memory_space<vmem_shared>> -> memref<10112x128xf32, #tpu.memory_space<vmem_shared>>
        tpu.wait_indirect_dma semaphore(%run_scoped3A : memref<!tpu.dma_semaphore, #tpu.memory_space<semaphore_mem>>) src(%arg9 : memref<128x128xf32, #tpu.memory_space<vmem>>) dst(%dma_wait3A_13 : memref<10112x128xf32, #tpu.memory_space<vmem_shared>>)
        tpu.yield
      }) : () -> ()
    }
    %scan3A_7 = arith.constant 79 : i32
    %barrier3A_8 = arith.constant 0 : index
    tpu.barrier barrier_id(%barrier3A_8)
    "tpu.region"() ({
      %run_scoped3A = tpu.sem_alloc : memref<!tpu.dma_semaphore, #tpu.memory_space<semaphore_mem>>
      %dma_start3A = arith.constant 0 : i32
      %dma_start3A_9 = tpu.memref_slice %arg6[%arg0, %mul3A_2, %dma_start3A] : memref<2x10112x128xf32, #tpu.memory_space<hbm>> -> memref<1x632x128xf32, #tpu.memory_space<hbm>>
      %dma_start3A_10 = tpu.memref_squeeze %dma_start3A_9 : memref<1x632x128xf32, #tpu.memory_space<hbm>> -> memref<632x128xf32, #tpu.memory_space<hbm>>
      %dma_start3A_11 = arith.constant 0 : i32
      %dma_start3A_12 = tpu.memref_slice %arg10[%mul3A_2, %dma_start3A_11] : memref<10112x128xf32, #tpu.memory_space<vmem_shared>> -> memref<632x128xf32, #tpu.memory_space<vmem_shared>>
      tpu.enqueue_dma source(%dma_start3A_12 : memref<632x128xf32, #tpu.memory_space<vmem_shared>>) target(%dma_start3A_10 : memref<632x128xf32, #tpu.memory_space<hbm>>) target_semaphore(%run_scoped3A : memref<!tpu.dma_semaphore, #tpu.memory_space<semaphore_mem>>)
      %dma_wait3A = arith.constant 0 : i32
      %dma_wait3A_13 = tpu.memref_slice %arg6[%arg0, %mul3A_2, %dma_wait3A] : memref<2x10112x128xf32, #tpu.memory_space<hbm>> -> memref<1x632x128xf32, #tpu.memory_space<hbm>>
      %dma_wait3A_14 = tpu.memref_squeeze %dma_wait3A_13 : memref<1x632x128xf32, #tpu.memory_space<hbm>> -> memref<632x128xf32, #tpu.memory_space<hbm>>
      %dma_wait3A_15 = arith.constant 0 : i32
      %dma_wait3A_16 = tpu.memref_slice %arg10[%mul3A_2, %dma_wait3A_15] : memref<10112x128xf32, #tpu.memory_space<vmem_shared>> -> memref<632x128xf32, #tpu.memory_space<vmem_shared>>
      tpu.wait_dma2 semaphore(%run_scoped3A : memref<!tpu.dma_semaphore, #tpu.memory_space<semaphore_mem>>) src(%dma_wait3A_16 : memref<632x128xf32, #tpu.memory_space<vmem_shared>>) dst(%dma_wait3A_14 : memref<632x128xf32, #tpu.memory_space<hbm>>)
      tpu.yield
    }) : () -> ()
    return
  }
}

#map = affine_map<(d0, d1) -> (0, 0, 0)>
#map1 = affine_map<(d0, d1) -> (0)>
#map2 = affine_map<(d0, d1) -> (0, 0)>
module attributes {stable_mosaic.version = 14 : i64} {
  func.func @_deg_body(%arg0: i32, %arg1: i32, %arg2: memref<32x79x128xi32, #tpu.memory_space<hbm>>, %arg3: memref<32x79x128xi32, #tpu.memory_space<hbm>>, %arg4: memref<16384xf32, #tpu.memory_space<hbm>>, %arg5: memref<32x79x128xi32, #tpu.memory_space<hbm>>, %arg6: memref<32x16384xf32, #tpu.memory_space<hbm>>, %arg7: memref<128xi32, #tpu.memory_space<vmem>>, %arg8: memref<128xi32, #tpu.memory_space<vmem>>, %arg9: memref<128xi32, #tpu.memory_space<vmem>>, %arg10: memref<16384xf32, #tpu.memory_space<vmem>>) attributes {dimension_semantics = [#tpu.dimension_semantics<core_parallel>, #tpu.dimension_semantics<subcore_parallel>], iteration_bounds = array<i64: 2, 16>, scalar_prefetch = 0 : i64, scratch_operands = 4 : i64, tpu.core_type = #tpu.core_type<sc_vector_subcore>, window_params = [{transform_indices = #map}, {transform_indices = #map}, {transform_indices = #map1}, {transform_indices = #map}, {transform_indices = #map2}]} {
    %mul3A = arith.constant 2 : i32
    %mul3A_0 = arith.muli %arg1, %mul3A : i32
    %add3A = arith.addi %mul3A_0, %arg0 : i32
    "tpu.region"() ({
      %run_scoped3A = tpu.sem_alloc : memref<!tpu.dma_semaphore, #tpu.memory_space<semaphore_mem>>
      tpu.enqueue_dma source(%arg4 : memref<16384xf32, #tpu.memory_space<hbm>>) target(%arg10 : memref<16384xf32, #tpu.memory_space<vmem>>) target_semaphore(%run_scoped3A : memref<!tpu.dma_semaphore, #tpu.memory_space<semaphore_mem>>)
      tpu.wait_dma2 semaphore(%run_scoped3A : memref<!tpu.dma_semaphore, #tpu.memory_space<semaphore_mem>>) src(%arg4 : memref<16384xf32, #tpu.memory_space<hbm>>) dst(%arg10 : memref<16384xf32, #tpu.memory_space<vmem>>)
      tpu.yield
    }) : () -> ()
    %broadcast_in_dim3A = arith.constant 1.000000e+00 : f32
    %broadcast_in_dim3A_1 = vector.broadcast %broadcast_in_dim3A : f32 to vector<16xf32>
    %scan3A = arith.constant 0 : i32
    %scan3A_2 = arith.constant 0 : i32
    %scan3A_3 = arith.constant 79 : i32
    %scan3A_4 = arith.addi %scan3A_2, %scan3A_3 : i32
    %scan3A_5 = arith.constant 1 : i32
    scf.for %scan3A_7 = %scan3A_2 to %scan3A_4 step %scan3A_5  : i32 {
      "tpu.region"() ({
        %run_scoped3A = tpu.sem_alloc : memref<!tpu.dma_semaphore, #tpu.memory_space<semaphore_mem>>
        %dma_start3A = arith.constant 0 : i32
        %dma_start3A_83 = tpu.memref_slice %arg2[%add3A, %scan3A_7, %dma_start3A] : memref<32x79x128xi32, #tpu.memory_space<hbm>> -> memref<1x1x128xi32, #tpu.memory_space<hbm>>
        %dma_start3A_84 = tpu.memref_squeeze %dma_start3A_83 : memref<1x1x128xi32, #tpu.memory_space<hbm>> -> memref<128xi32, #tpu.memory_space<hbm>>
        %dma_start3A_85 = arith.constant 0 : i32
        %dma_start3A_86 = tpu.memref_slice %arg2[%add3A, %scan3A_7, %dma_start3A_85] : memref<32x79x128xi32, #tpu.memory_space<hbm>> -> memref<1x1x128xi32, #tpu.memory_space<hbm>>
        %dma_start3A_87 = tpu.memref_squeeze %dma_start3A_86 : memref<1x1x128xi32, #tpu.memory_space<hbm>> -> memref<128xi32, #tpu.memory_space<hbm>>
        tpu.enqueue_dma source(%dma_start3A_87 : memref<128xi32, #tpu.memory_space<hbm>>) target(%arg7 : memref<128xi32, #tpu.memory_space<vmem>>) target_semaphore(%run_scoped3A : memref<!tpu.dma_semaphore, #tpu.memory_space<semaphore_mem>>)
        %dma_wait3A = arith.constant 0 : i32
        %dma_wait3A_88 = tpu.memref_slice %arg2[%add3A, %scan3A_7, %dma_wait3A] : memref<32x79x128xi32, #tpu.memory_space<hbm>> -> memref<1x1x128xi32, #tpu.memory_space<hbm>>
        %dma_wait3A_89 = tpu.memref_squeeze %dma_wait3A_88 : memref<1x1x128xi32, #tpu.memory_space<hbm>> -> memref<128xi32, #tpu.memory_space<hbm>>
        %dma_wait3A_90 = arith.constant 0 : i32
        %dma_wait3A_91 = tpu.memref_slice %arg2[%add3A, %scan3A_7, %dma_wait3A_90] : memref<32x79x128xi32, #tpu.memory_space<hbm>> -> memref<1x1x128xi32, #tpu.memory_space<hbm>>
        %dma_wait3A_92 = tpu.memref_squeeze %dma_wait3A_91 : memref<1x1x128xi32, #tpu.memory_space<hbm>> -> memref<128xi32, #tpu.memory_space<hbm>>
        tpu.wait_dma2 semaphore(%run_scoped3A : memref<!tpu.dma_semaphore, #tpu.memory_space<semaphore_mem>>) src(%dma_wait3A_92 : memref<128xi32, #tpu.memory_space<hbm>>) dst(%arg7 : memref<128xi32, #tpu.memory_space<vmem>>)
        tpu.yield
      }) : () -> ()
      "tpu.region"() ({
        %run_scoped3A = tpu.sem_alloc : memref<!tpu.dma_semaphore, #tpu.memory_space<semaphore_mem>>
        %dma_start3A = arith.constant 0 : i32
        %dma_start3A_83 = tpu.memref_slice %arg3[%add3A, %scan3A_7, %dma_start3A] : memref<32x79x128xi32, #tpu.memory_space<hbm>> -> memref<1x1x128xi32, #tpu.memory_space<hbm>>
        %dma_start3A_84 = tpu.memref_squeeze %dma_start3A_83 : memref<1x1x128xi32, #tpu.memory_space<hbm>> -> memref<128xi32, #tpu.memory_space<hbm>>
        %dma_start3A_85 = arith.constant 0 : i32
        %dma_start3A_86 = tpu.memref_slice %arg3[%add3A, %scan3A_7, %dma_start3A_85] : memref<32x79x128xi32, #tpu.memory_space<hbm>> -> memref<1x1x128xi32, #tpu.memory_space<hbm>>
        %dma_start3A_87 = tpu.memref_squeeze %dma_start3A_86 : memref<1x1x128xi32, #tpu.memory_space<hbm>> -> memref<128xi32, #tpu.memory_space<hbm>>
        tpu.enqueue_dma source(%dma_start3A_87 : memref<128xi32, #tpu.memory_space<hbm>>) target(%arg8 : memref<128xi32, #tpu.memory_space<vmem>>) target_semaphore(%run_scoped3A : memref<!tpu.dma_semaphore, #tpu.memory_space<semaphore_mem>>)
        %dma_wait3A = arith.constant 0 : i32
        %dma_wait3A_88 = tpu.memref_slice %arg3[%add3A, %scan3A_7, %dma_wait3A] : memref<32x79x128xi32, #tpu.memory_space<hbm>> -> memref<1x1x128xi32, #tpu.memory_space<hbm>>
        %dma_wait3A_89 = tpu.memref_squeeze %dma_wait3A_88 : memref<1x1x128xi32, #tpu.memory_space<hbm>> -> memref<128xi32, #tpu.memory_space<hbm>>
        %dma_wait3A_90 = arith.constant 0 : i32
        %dma_wait3A_91 = tpu.memref_slice %arg3[%add3A, %scan3A_7, %dma_wait3A_90] : memref<32x79x128xi32, #tpu.memory_space<hbm>> -> memref<1x1x128xi32, #tpu.memory_space<hbm>>
        %dma_wait3A_92 = tpu.memref_squeeze %dma_wait3A_91 : memref<1x1x128xi32, #tpu.memory_space<hbm>> -> memref<128xi32, #tpu.memory_space<hbm>>
        tpu.wait_dma2 semaphore(%run_scoped3A : memref<!tpu.dma_semaphore, #tpu.memory_space<semaphore_mem>>) src(%dma_wait3A_92 : memref<128xi32, #tpu.memory_space<hbm>>) dst(%arg8 : memref<128xi32, #tpu.memory_space<vmem>>)
        tpu.yield
      }) : () -> ()
      %get3A = arith.constant 0 : index
      %get3A_8 = tpu.vector_load %arg7[%get3A] {strides = array<i32>} : memref<128xi32, #tpu.memory_space<vmem>>, vector<16xi32>,
      %get3A_9 = arith.constant 0 : index
      %get3A_10 = tpu.vector_load %arg8[%get3A_9] {strides = array<i32>} : memref<128xi32, #tpu.memory_space<vmem>>, vector<16xi32>,
      %eq3A = arith.cmpi eq, %get3A_8, %get3A_10 : vector<16xi32>
      %jit3A = arith.constant 10000 : i32
      %broadcast_in_dim3A_11 = vector.broadcast %jit3A : i32 to vector<16xi32>
      %select_n3A = arith.select %eq3A, %broadcast_in_dim3A_11, %get3A_10 : vector<16xi1>, vector<16xi32>
      %swap3A = arith.constant 0 : index
      %swap3A_12 = tpu.vector_load %arg9[%swap3A] {strides = array<i32>} : memref<128xi32, #tpu.memory_space<vmem>>, vector<16xi32>,
      tpu.vector_store %arg9[%swap3A], %select_n3A {strides = array<i32>} : memref<128xi32, #tpu.memory_space<vmem>>, vector<16xi32>,
      tpu.vector_store_idx %arg10[%select_n3A], %broadcast_in_dim3A_1 {add = true} : memref<16384xf32, #tpu.memory_space<vmem>>[vector<16xi32>], vector<16xf32>,
      %get3A_13 = arith.constant 16 : index
      %get3A_14 = tpu.vector_load %arg7[%get3A_13] {strides = array<i32>} : memref<128xi32, #tpu.memory_space<vmem>>, vector<16xi32>,
      %get3A_15 = arith.constant 16 : index
      %get3A_16 = tpu.vector_load %arg8[%get3A_15] {strides = array<i32>} : memref<128xi32, #tpu.memory_space<vmem>>, vector<16xi32>,
      %eq3A_17 = arith.cmpi eq, %get3A_14, %get3A_16 : vector<16xi32>
      %jit3A_18 = arith.constant 10000 : i32
      %broadcast_in_dim3A_19 = vector.broadcast %jit3A_18 : i32 to vector<16xi32>
      %select_n3A_20 = arith.select %eq3A_17, %broadcast_in_dim3A_19, %get3A_16 : vector<16xi1>, vector<16xi32>
      %swap3A_21 = arith.constant 16 : index
      %swap3A_22 = tpu.vector_load %arg9[%swap3A_21] {strides = array<i32>} : memref<128xi32, #tpu.memory_space<vmem>>, vector<16xi32>,
      tpu.vector_store %arg9[%swap3A_21], %select_n3A_20 {strides = array<i32>} : memref<128xi32, #tpu.memory_space<vmem>>, vector<16xi32>,
      tpu.vector_store_idx %arg10[%select_n3A_20], %broadcast_in_dim3A_1 {add = true} : memref<16384xf32, #tpu.memory_space<vmem>>[vector<16xi32>], vector<16xf32>,
      %get3A_23 = arith.constant 32 : index
      %get3A_24 = tpu.vector_load %arg7[%get3A_23] {strides = array<i32>} : memref<128xi32, #tpu.memory_space<vmem>>, vector<16xi32>,
      %get3A_25 = arith.constant 32 : index
      %get3A_26 = tpu.vector_load %arg8[%get3A_25] {strides = array<i32>} : memref<128xi32, #tpu.memory_space<vmem>>, vector<16xi32>,
      %eq3A_27 = arith.cmpi eq, %get3A_24, %get3A_26 : vector<16xi32>
      %jit3A_28 = arith.constant 10000 : i32
      %broadcast_in_dim3A_29 = vector.broadcast %jit3A_28 : i32 to vector<16xi32>
      %select_n3A_30 = arith.select %eq3A_27, %broadcast_in_dim3A_29, %get3A_26 : vector<16xi1>, vector<16xi32>
      %swap3A_31 = arith.constant 32 : index
      %swap3A_32 = tpu.vector_load %arg9[%swap3A_31] {strides = array<i32>} : memref<128xi32, #tpu.memory_space<vmem>>, vector<16xi32>,
      tpu.vector_store %arg9[%swap3A_31], %select_n3A_30 {strides = array<i32>} : memref<128xi32, #tpu.memory_space<vmem>>, vector<16xi32>,
      tpu.vector_store_idx %arg10[%select_n3A_30], %broadcast_in_dim3A_1 {add = true} : memref<16384xf32, #tpu.memory_space<vmem>>[vector<16xi32>], vector<16xf32>,
      %get3A_33 = arith.constant 48 : index
      %get3A_34 = tpu.vector_load %arg7[%get3A_33] {strides = array<i32>} : memref<128xi32, #tpu.memory_space<vmem>>, vector<16xi32>,
      %get3A_35 = arith.constant 48 : index
      %get3A_36 = tpu.vector_load %arg8[%get3A_35] {strides = array<i32>} : memref<128xi32, #tpu.memory_space<vmem>>, vector<16xi32>,
      %eq3A_37 = arith.cmpi eq, %get3A_34, %get3A_36 : vector<16xi32>
      %jit3A_38 = arith.constant 10000 : i32
      %broadcast_in_dim3A_39 = vector.broadcast %jit3A_38 : i32 to vector<16xi32>
      %select_n3A_40 = arith.select %eq3A_37, %broadcast_in_dim3A_39, %get3A_36 : vector<16xi1>, vector<16xi32>
      %swap3A_41 = arith.constant 48 : index
      %swap3A_42 = tpu.vector_load %arg9[%swap3A_41] {strides = array<i32>} : memref<128xi32, #tpu.memory_space<vmem>>, vector<16xi32>,
      tpu.vector_store %arg9[%swap3A_41], %select_n3A_40 {strides = array<i32>} : memref<128xi32, #tpu.memory_space<vmem>>, vector<16xi32>,
      tpu.vector_store_idx %arg10[%select_n3A_40], %broadcast_in_dim3A_1 {add = true} : memref<16384xf32, #tpu.memory_space<vmem>>[vector<16xi32>], vector<16xf32>,
      %get3A_43 = arith.constant 64 : index
      %get3A_44 = tpu.vector_load %arg7[%get3A_43] {strides = array<i32>} : memref<128xi32, #tpu.memory_space<vmem>>, vector<16xi32>,
      %get3A_45 = arith.constant 64 : index
      %get3A_46 = tpu.vector_load %arg8[%get3A_45] {strides = array<i32>} : memref<128xi32, #tpu.memory_space<vmem>>, vector<16xi32>,
      %eq3A_47 = arith.cmpi eq, %get3A_44, %get3A_46 : vector<16xi32>
      %jit3A_48 = arith.constant 10000 : i32
      %broadcast_in_dim3A_49 = vector.broadcast %jit3A_48 : i32 to vector<16xi32>
      %select_n3A_50 = arith.select %eq3A_47, %broadcast_in_dim3A_49, %get3A_46 : vector<16xi1>, vector<16xi32>
      %swap3A_51 = arith.constant 64 : index
      %swap3A_52 = tpu.vector_load %arg9[%swap3A_51] {strides = array<i32>} : memref<128xi32, #tpu.memory_space<vmem>>, vector<16xi32>,
      tpu.vector_store %arg9[%swap3A_51], %select_n3A_50 {strides = array<i32>} : memref<128xi32, #tpu.memory_space<vmem>>, vector<16xi32>,
      tpu.vector_store_idx %arg10[%select_n3A_50], %broadcast_in_dim3A_1 {add = true} : memref<16384xf32, #tpu.memory_space<vmem>>[vector<16xi32>], vector<16xf32>,
      %get3A_53 = arith.constant 80 : index
      %get3A_54 = tpu.vector_load %arg7[%get3A_53] {strides = array<i32>} : memref<128xi32, #tpu.memory_space<vmem>>, vector<16xi32>,
      %get3A_55 = arith.constant 80 : index
      %get3A_56 = tpu.vector_load %arg8[%get3A_55] {strides = array<i32>} : memref<128xi32, #tpu.memory_space<vmem>>, vector<16xi32>,
      %eq3A_57 = arith.cmpi eq, %get3A_54, %get3A_56 : vector<16xi32>
      %jit3A_58 = arith.constant 10000 : i32
      %broadcast_in_dim3A_59 = vector.broadcast %jit3A_58 : i32 to vector<16xi32>
      %select_n3A_60 = arith.select %eq3A_57, %broadcast_in_dim3A_59, %get3A_56 : vector<16xi1>, vector<16xi32>
      %swap3A_61 = arith.constant 80 : index
      %swap3A_62 = tpu.vector_load %arg9[%swap3A_61] {strides = array<i32>} : memref<128xi32, #tpu.memory_space<vmem>>, vector<16xi32>,
      tpu.vector_store %arg9[%swap3A_61], %select_n3A_60 {strides = array<i32>} : memref<128xi32, #tpu.memory_space<vmem>>, vector<16xi32>,
      tpu.vector_store_idx %arg10[%select_n3A_60], %broadcast_in_dim3A_1 {add = true} : memref<16384xf32, #tpu.memory_space<vmem>>[vector<16xi32>], vector<16xf32>,
      %get3A_63 = arith.constant 96 : index
      %get3A_64 = tpu.vector_load %arg7[%get3A_63] {strides = array<i32>} : memref<128xi32, #tpu.memory_space<vmem>>, vector<16xi32>,
      %get3A_65 = arith.constant 96 : index
      %get3A_66 = tpu.vector_load %arg8[%get3A_65] {strides = array<i32>} : memref<128xi32, #tpu.memory_space<vmem>>, vector<16xi32>,
      %eq3A_67 = arith.cmpi eq, %get3A_64, %get3A_66 : vector<16xi32>
      %jit3A_68 = arith.constant 10000 : i32
      %broadcast_in_dim3A_69 = vector.broadcast %jit3A_68 : i32 to vector<16xi32>
      %select_n3A_70 = arith.select %eq3A_67, %broadcast_in_dim3A_69, %get3A_66 : vector<16xi1>, vector<16xi32>
      %swap3A_71 = arith.constant 96 : index
      %swap3A_72 = tpu.vector_load %arg9[%swap3A_71] {strides = array<i32>} : memref<128xi32, #tpu.memory_space<vmem>>, vector<16xi32>,
      tpu.vector_store %arg9[%swap3A_71], %select_n3A_70 {strides = array<i32>} : memref<128xi32, #tpu.memory_space<vmem>>, vector<16xi32>,
      tpu.vector_store_idx %arg10[%select_n3A_70], %broadcast_in_dim3A_1 {add = true} : memref<16384xf32, #tpu.memory_space<vmem>>[vector<16xi32>], vector<16xf32>,
      %get3A_73 = arith.constant 112 : index
      %get3A_74 = tpu.vector_load %arg7[%get3A_73] {strides = array<i32>} : memref<128xi32, #tpu.memory_space<vmem>>, vector<16xi32>,
      %get3A_75 = arith.constant 112 : index
      %get3A_76 = tpu.vector_load %arg8[%get3A_75] {strides = array<i32>} : memref<128xi32, #tpu.memory_space<vmem>>, vector<16xi32>,
      %eq3A_77 = arith.cmpi eq, %get3A_74, %get3A_76 : vector<16xi32>
      %jit3A_78 = arith.constant 10000 : i32
      %broadcast_in_dim3A_79 = vector.broadcast %jit3A_78 : i32 to vector<16xi32>
      %select_n3A_80 = arith.select %eq3A_77, %broadcast_in_dim3A_79, %get3A_76 : vector<16xi1>, vector<16xi32>
      %swap3A_81 = arith.constant 112 : index
      %swap3A_82 = tpu.vector_load %arg9[%swap3A_81] {strides = array<i32>} : memref<128xi32, #tpu.memory_space<vmem>>, vector<16xi32>,
      tpu.vector_store %arg9[%swap3A_81], %select_n3A_80 {strides = array<i32>} : memref<128xi32, #tpu.memory_space<vmem>>, vector<16xi32>,
      tpu.vector_store_idx %arg10[%select_n3A_80], %broadcast_in_dim3A_1 {add = true} : memref<16384xf32, #tpu.memory_space<vmem>>[vector<16xi32>], vector<16xf32>,
      "tpu.region"() ({
        %run_scoped3A = tpu.sem_alloc : memref<!tpu.dma_semaphore, #tpu.memory_space<semaphore_mem>>
        %dma_start3A = arith.constant 0 : i32
        %dma_start3A_83 = tpu.memref_slice %arg5[%add3A, %scan3A_7, %dma_start3A] : memref<32x79x128xi32, #tpu.memory_space<hbm>> -> memref<1x1x128xi32, #tpu.memory_space<hbm>>
        %dma_start3A_84 = tpu.memref_squeeze %dma_start3A_83 : memref<1x1x128xi32, #tpu.memory_space<hbm>> -> memref<128xi32, #tpu.memory_space<hbm>>
        %dma_start3A_85 = arith.constant 0 : i32
        %dma_start3A_86 = tpu.memref_slice %arg5[%add3A, %scan3A_7, %dma_start3A_85] : memref<32x79x128xi32, #tpu.memory_space<hbm>> -> memref<1x1x128xi32, #tpu.memory_space<hbm>>
        %dma_start3A_87 = tpu.memref_squeeze %dma_start3A_86 : memref<1x1x128xi32, #tpu.memory_space<hbm>> -> memref<128xi32, #tpu.memory_space<hbm>>
        tpu.enqueue_dma source(%arg9 : memref<128xi32, #tpu.memory_space<vmem>>) target(%dma_start3A_87 : memref<128xi32, #tpu.memory_space<hbm>>) target_semaphore(%run_scoped3A : memref<!tpu.dma_semaphore, #tpu.memory_space<semaphore_mem>>)
        %dma_wait3A = arith.constant 0 : i32
        %dma_wait3A_88 = tpu.memref_slice %arg5[%add3A, %scan3A_7, %dma_wait3A] : memref<32x79x128xi32, #tpu.memory_space<hbm>> -> memref<1x1x128xi32, #tpu.memory_space<hbm>>
        %dma_wait3A_89 = tpu.memref_squeeze %dma_wait3A_88 : memref<1x1x128xi32, #tpu.memory_space<hbm>> -> memref<128xi32, #tpu.memory_space<hbm>>
        %dma_wait3A_90 = arith.constant 0 : i32
        %dma_wait3A_91 = tpu.memref_slice %arg5[%add3A, %scan3A_7, %dma_wait3A_90] : memref<32x79x128xi32, #tpu.memory_space<hbm>> -> memref<1x1x128xi32, #tpu.memory_space<hbm>>
        %dma_wait3A_92 = tpu.memref_squeeze %dma_wait3A_91 : memref<1x1x128xi32, #tpu.memory_space<hbm>> -> memref<128xi32, #tpu.memory_space<hbm>>
        tpu.wait_dma2 semaphore(%run_scoped3A : memref<!tpu.dma_semaphore, #tpu.memory_space<semaphore_mem>>) src(%arg9 : memref<128xi32, #tpu.memory_space<vmem>>) dst(%dma_wait3A_92 : memref<128xi32, #tpu.memory_space<hbm>>)
        tpu.yield
      }) : () -> ()
    }
    %scan3A_6 = arith.constant 79 : i32
    "tpu.region"() ({
      %run_scoped3A = tpu.sem_alloc : memref<!tpu.dma_semaphore, #tpu.memory_space<semaphore_mem>>
      %dma_start3A = arith.constant 0 : i32
      %dma_start3A_7 = tpu.memref_slice %arg6[%add3A, %dma_start3A] : memref<32x16384xf32, #tpu.memory_space<hbm>> -> memref<1x16384xf32, #tpu.memory_space<hbm>>
      %dma_start3A_8 = tpu.memref_squeeze %dma_start3A_7 : memref<1x16384xf32, #tpu.memory_space<hbm>> -> memref<16384xf32, #tpu.memory_space<hbm>>
      %dma_start3A_9 = arith.constant 0 : i32
      %dma_start3A_10 = tpu.memref_slice %arg6[%add3A, %dma_start3A_9] : memref<32x16384xf32, #tpu.memory_space<hbm>> -> memref<1x16384xf32, #tpu.memory_space<hbm>>
      %dma_start3A_11 = tpu.memref_squeeze %dma_start3A_10 : memref<1x16384xf32, #tpu.memory_space<hbm>> -> memref<16384xf32, #tpu.memory_space<hbm>>
      tpu.enqueue_dma source(%arg10 : memref<16384xf32, #tpu.memory_space<vmem>>) target(%dma_start3A_11 : memref<16384xf32, #tpu.memory_space<hbm>>) target_semaphore(%run_scoped3A : memref<!tpu.dma_semaphore, #tpu.memory_space<semaphore_mem>>)
      %dma_wait3A = arith.constant 0 : i32
      %dma_wait3A_12 = tpu.memref_slice %arg6[%add3A, %dma_wait3A] : memref<32x16384xf32, #tpu.memory_space<hbm>> -> memref<1x16384xf32, #tpu.memory_space<hbm>>
      %dma_wait3A_13 = tpu.memref_squeeze %dma_wait3A_12 : memref<1x16384xf32, #tpu.memory_space<hbm>> -> memref<16384xf32, #tpu.memory_space<hbm>>
      %dma_wait3A_14 = arith.constant 0 : i32
      %dma_wait3A_15 = tpu.memref_slice %arg6[%add3A, %dma_wait3A_14] : memref<32x16384xf32, #tpu.memory_space<hbm>> -> memref<1x16384xf32, #tpu.memory_space<hbm>>
      %dma_wait3A_16 = tpu.memref_squeeze %dma_wait3A_15 : memref<1x16384xf32, #tpu.memory_space<hbm>> -> memref<16384xf32, #tpu.memory_space<hbm>>
      tpu.wait_dma2 semaphore(%run_scoped3A : memref<!tpu.dma_semaphore, #tpu.memory_space<semaphore_mem>>) src(%arg10 : memref<16384xf32, #tpu.memory_space<vmem>>) dst(%dma_wait3A_16 : memref<16384xf32, #tpu.memory_space<hbm>>)
      tpu.yield
    }) : () -> ()
    return
  }
}

module attributes {stable_mosaic.version = 14 : i64} {
  func.func @_tc_scale_body(%arg0: memref<10000x32xf32, #tpu.memory_space<vmem>>, %arg1: memref<10000x128xf32, #tpu.memory_space<vmem>>, %arg2: memref<10000x128xf32, #tpu.memory_space<vmem>>) attributes {dimension_semantics = [], scalar_prefetch = 0 : i64, scratch_operands = 0 : i64, tpu.core_type = #tpu.core_type<tc>} {
    %get3A = arith.constant 0 : index
    %get3A_0 = arith.constant 0 : index
    %get3A_1 = vector.load %arg0[%get3A, %get3A_0] : memref<10000x32xf32, #tpu.memory_space<vmem>>, vector<10000x32xf32>
    %reduce_sum3A = arith.constant dense<0.000000e+00> : vector<10000xf32>
    %reduce_sum3A_2 = vector.multi_reduction <add>, %get3A_1, %reduce_sum3A [1] : vector<10000x32xf32> to vector<10000xf32>
    %broadcast_in_dim3A = vector.shape_cast %reduce_sum3A_2 : vector<10000xf32> to vector<10000x1xf32>
    %add3A = arith.constant 1.000000e+00 : f32
    %add3A_3 = vector.broadcast %add3A : f32 to vector<10000x1xf32>
    %add3A_4 = arith.addf %broadcast_in_dim3A, %add3A_3 : vector<10000x1xf32>
    %get3A_5 = arith.constant 0 : index
    %get3A_6 = arith.constant 0 : index
    %get3A_7 = vector.load %arg1[%get3A_5, %get3A_6] : memref<10000x128xf32, #tpu.memory_space<vmem>>, vector<10000x128xf32>
    %rsqrt3A = math.rsqrt %add3A_4 : vector<10000x1xf32>
    %mul3A = vector.broadcast %rsqrt3A : vector<10000x1xf32> to vector<10000x128xf32>
    %mul3A_8 = arith.mulf %get3A_7, %mul3A : vector<10000x128xf32>
    %swap3A = arith.constant 0 : index
    %swap3A_9 = arith.constant 0 : index
    %swap3A_10 = vector.load %arg2[%swap3A, %swap3A_9] : memref<10000x128xf32, #tpu.memory_space<vmem>>, vector<10000x128xf32>
    tpu.vector_store %arg2[%swap3A, %swap3A_9], %mul3A_8 {strides = array<i32>} : memref<10000x128xf32, #tpu.memory_space<vmem>>, vector<10000x128xf32>,
    return
  }
}

module attributes {stable_mosaic.version = 14 : i64} {
  func.func @_tc_final_body(%arg0: memref<10000x32xf32, #tpu.memory_space<vmem>>, %arg1: memref<2x10112x128xf32, #tpu.memory_space<vmem>>, %arg2: memref<10000x128xf32, #tpu.memory_space<vmem>>, %arg3: memref<128x64xf32, #tpu.memory_space<vmem>>, %arg4: memref<1x64xf32, #tpu.memory_space<vmem>>, %arg5: memref<10000x64xf32, #tpu.memory_space<vmem>>) attributes {dimension_semantics = [], scalar_prefetch = 0 : i64, scratch_operands = 0 : i64, tpu.core_type = #tpu.core_type<tc>} {
    %get3A = arith.constant 0 : index
    %get3A_0 = arith.constant 0 : index
    %get3A_1 = vector.load %arg0[%get3A, %get3A_0] : memref<10000x32xf32, #tpu.memory_space<vmem>>, vector<10000x32xf32>
    %reduce_sum3A = arith.constant dense<0.000000e+00> : vector<10000xf32>
    %reduce_sum3A_2 = vector.multi_reduction <add>, %get3A_1, %reduce_sum3A [1] : vector<10000x32xf32> to vector<10000xf32>
    %broadcast_in_dim3A = vector.shape_cast %reduce_sum3A_2 : vector<10000xf32> to vector<10000x1xf32>
    %add3A = arith.constant 1.000000e+00 : f32
    %add3A_3 = vector.broadcast %add3A : f32 to vector<10000x1xf32>
    %add3A_4 = arith.addf %broadcast_in_dim3A, %add3A_3 : vector<10000x1xf32>
    %rsqrt3A = math.rsqrt %add3A_4 : vector<10000x1xf32>
    %get3A_5 = arith.constant 0 : index
    %get3A_6 = arith.constant 0 : index
    %get3A_7 = arith.constant 0 : index
    %get3A_8 = vector.load %arg1[%get3A_5, %get3A_6, %get3A_7] : memref<2x10112x128xf32, #tpu.memory_space<vmem>>, vector<2x10112x128xf32>
    %slice3A = vector.extract_strided_slice %get3A_8 {offsets = [0, 0, 0], sizes = [1, 10000, 128], strides = [1, 1, 1]} : vector<2x10112x128xf32> to vector<1x10000x128xf32>
    %squeeze3A = vector.shape_cast %slice3A : vector<1x10000x128xf32> to vector<10000x128xf32>
    %slice3A_9 = vector.extract_strided_slice %get3A_8 {offsets = [1, 0, 0], sizes = [1, 10000, 128], strides = [1, 1, 1]} : vector<2x10112x128xf32> to vector<1x10000x128xf32>
    %squeeze3A_10 = vector.shape_cast %slice3A_9 : vector<1x10000x128xf32> to vector<10000x128xf32>
    %add3A_11 = arith.addf %squeeze3A, %squeeze3A_10 : vector<10000x128xf32>
    %get3A_12 = arith.constant 0 : index
    %get3A_13 = arith.constant 0 : index
    %get3A_14 = vector.load %arg2[%get3A_12, %get3A_13] : memref<10000x128xf32, #tpu.memory_space<vmem>>, vector<10000x128xf32>
    %add3A_15 = arith.addf %add3A_11, %get3A_14 : vector<10000x128xf32>
    %mul3A = vector.broadcast %rsqrt3A : vector<10000x1xf32> to vector<10000x128xf32>
    %mul3A_16 = arith.mulf %add3A_15, %mul3A : vector<10000x128xf32>
    %get3A_17 = arith.constant 0 : index
    %get3A_18 = arith.constant 0 : index
    %get3A_19 = vector.load %arg3[%get3A_17, %get3A_18] : memref<128x64xf32, #tpu.memory_space<vmem>>, vector<128x64xf32>
    %dot_general3A = arith.constant dense<0.000000e+00> : vector<10000x64xf32>
    %dot_general3A_20 = tpu.matmul %mul3A_16, %get3A_19, %dot_general3A {dimension_numbers = #tpu.dot_dimension_numbers<[1], [0], [0], [1], [0, 0, 1, 1], [], []>, transpose_lhs_hint = false} : vector<10000x128xf32>, vector<128x64xf32>, vector<10000x64xf32> -> vector<10000x64xf32>
    %get3A_21 = arith.constant 0 : index
    %get3A_22 = arith.constant 0 : index
    %get3A_23 = vector.load %arg4[%get3A_21, %get3A_22] : memref<1x64xf32, #tpu.memory_space<vmem>>, vector<1x64xf32>
    %add3A_24 = vector.broadcast %get3A_23 : vector<1x64xf32> to vector<10000x64xf32>
    %add3A_25 = arith.addf %dot_general3A_20, %add3A_24 : vector<10000x64xf32>
    %swap3A = arith.constant 0 : index
    %swap3A_26 = arith.constant 0 : index
    %swap3A_27 = vector.load %arg5[%swap3A, %swap3A_26] : memref<10000x64xf32, #tpu.memory_space<vmem>>, vector<10000x64xf32>
    tpu.vector_store %arg5[%swap3A, %swap3A_26], %add3A_25 {strides = array<i32>} : memref<10000x64xf32, #tpu.memory_space<vmem>>, vector<10000x64xf32>,
    return
  }
}

module attributes {stable_mosaic.version = 14 : i64} {
  func.func @_tc_mid_body(%arg0: memref<10000x32xf32, #tpu.memory_space<vmem>>, %arg1: memref<2x10112x128xf32, #tpu.memory_space<vmem>>, %arg2: memref<10000x128xf32, #tpu.memory_space<vmem>>, %arg3: memref<10000x128xf32, #tpu.memory_space<vmem>>) attributes {dimension_semantics = [], scalar_prefetch = 0 : i64, scratch_operands = 0 : i64, tpu.core_type = #tpu.core_type<tc>} {
    %get3A = arith.constant 0 : index
    %get3A_0 = arith.constant 0 : index
    %get3A_1 = vector.load %arg0[%get3A, %get3A_0] : memref<10000x32xf32, #tpu.memory_space<vmem>>, vector<10000x32xf32>
    %reduce_sum3A = arith.constant dense<0.000000e+00> : vector<10000xf32>
    %reduce_sum3A_2 = vector.multi_reduction <add>, %get3A_1, %reduce_sum3A [1] : vector<10000x32xf32> to vector<10000xf32>
    %broadcast_in_dim3A = vector.shape_cast %reduce_sum3A_2 : vector<10000xf32> to vector<10000x1xf32>
    %add3A = arith.constant 1.000000e+00 : f32
    %add3A_3 = vector.broadcast %add3A : f32 to vector<10000x1xf32>
    %add3A_4 = arith.addf %broadcast_in_dim3A, %add3A_3 : vector<10000x1xf32>
    %div3A = arith.constant 1.000000e+00 : f32
    %div3A_5 = vector.broadcast %div3A : f32 to vector<10000x1xf32>
    %div3A_6 = arith.divf %div3A_5, %add3A_4 : vector<10000x1xf32>
    %get3A_7 = arith.constant 0 : index
    %get3A_8 = arith.constant 0 : index
    %get3A_9 = arith.constant 0 : index
    %get3A_10 = vector.load %arg1[%get3A_7, %get3A_8, %get3A_9] : memref<2x10112x128xf32, #tpu.memory_space<vmem>>, vector<2x10112x128xf32>
    %slice3A = vector.extract_strided_slice %get3A_10 {offsets = [0, 0, 0], sizes = [1, 10000, 128], strides = [1, 1, 1]} : vector<2x10112x128xf32> to vector<1x10000x128xf32>
    %squeeze3A = vector.shape_cast %slice3A : vector<1x10000x128xf32> to vector<10000x128xf32>
    %slice3A_11 = vector.extract_strided_slice %get3A_10 {offsets = [1, 0, 0], sizes = [1, 10000, 128], strides = [1, 1, 1]} : vector<2x10112x128xf32> to vector<1x10000x128xf32>
    %squeeze3A_12 = vector.shape_cast %slice3A_11 : vector<1x10000x128xf32> to vector<10000x128xf32>
    %add3A_13 = arith.addf %squeeze3A, %squeeze3A_12 : vector<10000x128xf32>
    %get3A_14 = arith.constant 0 : index
    %get3A_15 = arith.constant 0 : index
    %get3A_16 = vector.load %arg2[%get3A_14, %get3A_15] : memref<10000x128xf32, #tpu.memory_space<vmem>>, vector<10000x128xf32>
    %add3A_17 = arith.addf %add3A_13, %get3A_16 : vector<10000x128xf32>
    %mul3A = vector.broadcast %div3A_6 : vector<10000x1xf32> to vector<10000x128xf32>
    %mul3A_18 = arith.mulf %add3A_17, %mul3A : vector<10000x128xf32>
    %swap3A = arith.constant 0 : index
    %swap3A_19 = arith.constant 0 : index
    %swap3A_20 = vector.load %arg3[%swap3A, %swap3A_19] : memref<10000x128xf32, #tpu.memory_space<vmem>>, vector<10000x128xf32>
    tpu.vector_store %arg3[%swap3A, %swap3A_19], %mul3A_18 {strides = array<i32>} : memref<10000x128xf32, #tpu.memory_space<vmem>>, vector<10000x128xf32>,
    return
  }
}

</mosaic_0001>

<sc_bundles>
// kernel: kernel.11.cloned.1.call-start
scs
__scs_entry_jumppad:
0x0: {  	(pc) =	sbr.rel $0x88, $3  }
0x1: {  	(tag) =	ssettag $0x0;
	lr =	simm.s32 $0x1  }
0x2: {  	[smem:$0x3F9D] =	sst lr;
	_ =	strace $0xD0000000  }
0x3: {  	_ = 	snop  }
0x4: {  	_ = 	snop  }
0x5: {  	_ = 	snop  }
0x6: {  	_ = 	snop  }
0x7: {  	_ = 	snop  }
__scs_overlays_trampoline_lowered:
0x8: {  	[smem:$0x3FAC] =	sst s0  }
0x9: {  	[smem:$0x3FAD] =	sst s1  }
0xa: {  	[smem:$0x3FAE] =	sst s2  }
0xb: {  	[smem:$0x3FAF] =	sst s3  }
0xc: {  	[smem:$0x3FB0] =	sst s4  }
0xd: {  	[smem:$0x3FB1] =	sst s5  }
0xe: {  	[smem:$0x3FB2] =	sst s6  }
0xf: {  	[smem:$0x3FB3] =	sst s7  }
0x10: {  	[smem:$0x3FB4] =	sst s8  }
0x11: {  	[smem:$0x3FB5] =	sst s9;
	s0 =	simm.s32 @!p0 $0x0  }
0x12: {  	s1 =	sld [smem:$0x3F9B];
	s0 =	simm.s32 @p0 $0x1  }
0x13: {  	[smem:$0x3FB6] =	sst s0;
	s0 =	simm.s32 @!p1 $0x0  }
0x14: {  	s2 =	sld [smem:$0x3F9A];
	s0 =	simm.s32 @p1 $0x1  }
0x15: {  	[smem:$0x3FB7] =	sst s0;
	s0 =	simm.s32 @!p2 $0x0  }
0x16: {  	s3 =	sld [smem:$0x3FDB];
	s0 =	simm.s32 @p2 $0x1  }
0x17: {  	s4 =	simm.s32 $0x1BF5;
	[smem:$0x3FB9] =	sst s0  }
0x18: {  	s0 =	sld [smem:$0x3F9C];
	_ =	swait.ge [sflag:s4], $0x0  }
0x19: {  	s7 =	sld [smem:$0x3F9D]  }
0x1a: {  	s8 =	sadd.s32 $0xFFFFE003, lr  }
0x1b: {  	s9 =	sadd.s32 $0xFFFFFEF7, lr;
	s5 =	simm.s32 $0xFFFFFFFF;
	p2 =	slt.u32 s8, $0xFFFFF086  }
0x1c: {  	p1 =	slt.u32 s9, $0xF7A;
	s5 =	simm.s32 @!p2 $0x0  }
0x1d: {  	s5 =	simm.s32 @p1 $0x1;
	p0 =	seq.s32 s7, s2  }
0x1e: {  	s7 =	smul.u32 @!p0 $0xF7A, s2;
	p2 =	seq.s32 @!p0 s5, $0x0  }
0x1f: {  	s9 =	smul.u32 $0xF7A, s1;
	s8 =	simm.s32 @!p0 $0x1BF5;
	p2 =	por !p2, p0  }
0x20: {  	[sflag:s8] =	ssyncset.s32 @!p0 $0xFFFFF086;
	s6 =	sadd.s32 @!p0 s3, s7;
	s7 =	simm.s32 @!p0 $0x108  }
0x21: {  	s3 =	sadd.s32 s3, s9;
	s6 =	sadd.s32 @!p0 $0x88, s6;
	s7 =	simm.s32 @p2 $0x1082  }
0x22: {  	[simem:s7], [sflag:s8] =	dma.local @!p0 [hbm:s6], $0xF7A  }
0x23: {  	s9 =	sor.u32 $0xD0000000, s2;
	s6 =	simm.s32 $0x108;
	_ =	swait.ge @!p0 [sflag:s8], $0x0  }
0x24: {  	s3 =	sadd.s32 $0x88, s3;
	s6 =	simm.s32 @!p1 $0x1082;
	[sflag:s4] =	ssyncset.s32 $0xFFFFF086  }
0x25: {  	[simem:s6], [sflag:s4] =	dma.local [hbm:s3], $0xF7A  }
0x26: {  	[smem:$0x3F9D] =	sst s1;
	(tag) =	ssettag s2;
	_ =	strace s9  }
0x27: {  	s1 =	sld [smem:$0x3FAD]  }
0x28: {  	s2 =	sld [smem:$0x3FAE]  }
0x29: {  	s4 =	sld [smem:$0x3FB0]  }
0x2a: {  	p0 =	seq.s32 s5, $0x0;
	s5 =	sld [smem:$0x3FB1]  }
0x2b: {  	s6 =	sld [smem:$0x3FB2]  }
0x2c: {  	s7 =	sld [smem:$0x3FB3]  }
0x2d: {  	s3 =	simm.s32 $0x108;
	s8 =	sld [smem:$0x3FB4]  }
0x2e: {  	s3 =	simm.s32 @!p0 $0x1082;
	s9 =	sld [smem:$0x3FB5]  }
0x2f: {  	lr =	sadd.s32 s0, s3;
	s0 =	sld [smem:$0x3FAC]  }
0x30: {  	s3 =	sld [smem:$0x3FAF]  }
0x31: {  	[smem:$0x3FB8] =	sst s10  }
0x32: {  	s10 =	sld [smem:$0x3FB6];
	_ =	sdelay $0x3  }
0x33: {  	p0 =	seq.s32 s10, $0x1;
	s10 =	sld [smem:$0x3FB8];
	_ =	sdelay $0x3  }
0x34: {  	[smem:$0x3FB8] =	sst s10  }
0x35: {  	s10 =	sld [smem:$0x3FB7];
	_ =	sdelay $0x3  }
0x36: {  	p1 =	seq.s32 s10, $0x1;
	s10 =	sld [smem:$0x3FB8];
	_ =	sdelay $0x3  }
0x37: {  	[smem:$0x3FB8] =	sst s10  }
0x38: {  	s10 =	sld [smem:$0x3FB9]  }
0x39: {  	_ = 	snop;
	(pc) =	sbr.ind lr, $3  }
0x3a: {  	_ = 	snop  }
0x3b: {  	_ = 	snop  }
0x3c: {  	p2 =	seq.s32 s10, $0x1;
	s10 =	sld [smem:$0x3FB8]  }
0x3d: {  	_ =	shalt  }
0x3e: {  	_ =	shalt  }
0x3f: {  	_ =	shalt  }
0x40: {  	_ =	shalt  }
0x41: {  	_ =	shalt  }
0x42: {  	_ =	shalt  }
0x43: {  	_ =	shalt  }
0x44: {  	_ =	shalt  }
0x45: {  	_ =	shalt  }
0x46: {  	_ =	shalt  }
0x47: {  	_ =	shalt  }
0x48: {  	_ =	shalt  }
0x49: {  	_ =	shalt  }
0x4a: {  	_ =	shalt  }
0x4b: {  	_ =	shalt  }
0x4c: {  	_ =	shalt  }
0x4d: {  	_ =	shalt  }
0x4e: {  	_ =	shalt  }
0x4f: {  	_ =	shalt  }
0x50: {  	_ =	shalt  }
0x51: {  	_ =	shalt  }
0x52: {  	_ =	shalt  }
0x53: {  	_ =	shalt  }
0x54: {  	_ =	shalt  }
0x55: {  	_ =	shalt  }
0x56: {  	_ =	shalt  }
0x57: {  	_ =	shalt  }
0x58: {  	_ =	shalt  }
0x59: {  	_ =	shalt  }
0x5a: {  	_ =	shalt  }
0x5b: {  	_ =	shalt  }
0x5c: {  	_ =	shalt  }
0x5d: {  	_ =	shalt  }
0x5e: {  	_ =	shalt  }
0x5f: {  	_ =	shalt  }
0x60: {  	_ =	shalt  }
0x61: {  	_ =	shalt  }
0x62: {  	_ =	shalt  }
0x63: {  	_ =	shalt  }
0x64: {  	_ =	shalt  }
0x65: {  	_ =	shalt  }
0x66: {  	_ =	shalt  }
0x67: {  	_ =	shalt  }
0x68: {  	_ =	shalt  }
0x69: {  	_ =	shalt  }
0x6a: {  	_ =	shalt  }
0x6b: {  	_ =	shalt  }
0x6c: {  	_ =	shalt  }
0x6d: {  	_ =	shalt  }
0x6e: {  	_ =	shalt  }
0x6f: {  	_ =	shalt  }
0x70: {  	_ =	shalt  }
0x71: {  	_ =	shalt  }
0x72: {  	_ =	shalt  }
0x73: {  	_ =	shalt  }
0x74: {  	_ =	shalt  }
0x75: {  	_ =	shalt  }
0x76: {  	_ =	shalt  }
0x77: {  	_ =	shalt  }
0x78: {  	_ =	shalt  }
0x79: {  	_ =	shalt  }
0x7a: {  	_ =	shalt  }
0x7b: {  	_ =	shalt  }
0x7c: {  	_ =	shalt  }
0x7d: {  	_ =	shalt  }
0x7e: {  	_ =	shalt  }
0x7f: {  	_ =	shalt  }
0x80: {  	_ =	shalt  }
0x81: {  	_ =	shalt  }
0x82: {  	_ =	shalt  }
0x83: {  	_ =	shalt  }
0x84: {  	_ =	shalt  }
0x85: {  	_ =	shalt  }
0x86: {  	_ =	shalt  }
0x87: {  	_ =	shalt  }
.Lfunc_end0:
.L_simem_size_0:
called_computation.1_lowered:
.L_overlay_start_0:
0x88: {  	s2 =	sld [smem:$0x3FD9]  }
0x89: {  	s3 =	sld [smem:$0x3FFE];
	_ =	sdelay $0x1  }
0x8a: {  	s1 =	srdreg.scid  }
0x8b: {  	s0 =	sand.u32 $0x1, s1  }
0x8c: {  	s16 =	sshll.u32 s0, $0xA;
	s2 =	sadd.s32 s3, s2  }
0x8d: {  	s2 =	sadd.s32 s2, s16  }
0x8e: {  	[smem:$0x3FC4] =	sst s2  }
0x8f: {  	_ = 	snop  }
0x90: {  	(tm) =	ssettm $0x1  }
0x91: {  	s17 =	sld [smem:$0x3FFB];
	_ =	sdelay $0x3  }
0x92: {  	_ =	strace s17  }
0x93: {  	s2 =	sld [smem:$0x3FFC];
	_ =	sdelay $0x3  }
0x94: {  	_ =	strace s2  }
0x95: {  	s2 =	sld [smem:$0x3FFD];
	_ =	sdelay $0x3  }
0x96: {  	_ =	strace s2  }
0x97: {  	_ =	strace $0x8FFFFFFF  }
0x98: {  	s18 =	sld [smem:$0x3FDB];
	_ =	sdelay $0x1  }
0x99: {  	s19 =	simm.s32 $_scs_section_size  }
0x9a: {  	s4 =	simm.s32 $_size__tile_overlayer_lowered;
	s5 =	simm.s32 $_tile_overlayer_lowered  }
0x9b: {  	s22 =	simm.s32 $0x1BFF;
	s21 =	sshll.u32 s5, $0x1;
	s2 =	sadd.s32 s19, s18  }
0x9c: {  	s6 =	simm.s32 $0x0;
	s20 =	sshll.u32 s4, $0x1;
	s4 =	sadd.s32 s21, s2  }
0x9d: {  	[timem:s6], [sflag:s22] =	dma.local [hbm:s4], s20  }
0x9e: {  	_ =	swait.ge [sflag:s22], s20  }
0x9f: {  	s3 =	ssub.s32 $0x0, s20;
	[sflag:s22] =	ssyncset.done $0x0  }
0xa0: {  	[sflag:s22] =	ssyncadd.s32 s3;
	_ =	sdelay $0x1  }
0xa1: {  	s23 =	simm.s32 $0x1B8B  }
0xa2: {  	_ =	swait.ge [sflag:s23], $0x1  }
0xa3: {  	[sflag:s23] =	ssyncset.done $0x0  }
0xa4: {  	s25 =	simm.s32 $0x1B8E;
	s24 =	sld [smem:$0x3FFE];
	[sflag:s23] =	ssyncadd.s32 $0xFFFFFFFF  }
0xa5: {  	s26 =	simm.s32 $execute0_lowered;
	[smem:$0x3FD2] =	sst s25  }
0xa6: {  	s4 =	sshll.u32 s26, $0x1;
	_ =	strace $0x80000049;
	[dreg:$0x1] =	wrdreg $0xFFFFFFFF  }
0xa7: {  	s28 =	simm.s32 $_size_execute0_lowered;
	s2 =	sadd.s32 s2, s4;
	[dreg:$0x0] =	wrdreg $0x0  }
0xa8: {  	s4 =	sshll.u32 s28, $0x1;
	[dreg:$0x2] =	wrdreg s2  }
0xa9: {  	[dreg:$0x3] =	wrdreg s4  }
0xaa: {  	[dreg:$0x4] =	wrdreg $0xC0  }
0xab: {  	_ =	task [dreg:s6], $0x5FFFF  }
0xac: {  	[dreg:$0x1] =	wrdreg $0xFFFFFFFF  }
0xad: {  	[dreg:$0x0] =	wrdreg $0x60  }
0xae: {  	[dreg:$0x2] =	wrdreg s24  }
0xaf: {  	[dreg:$0x3] =	wrdreg $0x41000  }
0xb0: {  	[dreg:$0x4] =	wrdreg $0x9  }
0xb1: {  	_ =	task.clear_ibuf [dreg:s6], $0x5FFFF;
	_ =	strace $0x90000049  }
0xb2: {  	s29 =	simm.s32 $0x9;
	_ =	strace $0x8000004B  }
0xb3: {  	_ =	swait.ge [sflag:s29], $0x1  }
0xb4: {  	[sflag:s29] =	ssyncadd.s32 $0xFFFFFFFF  }
0xb5: {  	_ =	strace $0x9000004B  }
0xb6: {  	_ =	sfence  }
0xb7: {  	s30 =	sld [smem:$0x0];
	_ =	sdelay $0x2  }
0xb8: {  	s31 =	sshll.u32 s1, $0xD;
	s1 =	sshrl.u32 s1, $0x2  }
0xb9: {  	s3 =	sand.u32 $0x4000, s31;
	s1 =	sadd.s32 s1, s30  }
0xba: {  	s0 =	sor.u32 s3, s0;
	s1 =	sshll.u32 s1, $0x11  }
0xbb: {  	s0 =	sor.u32 s1, s0  }
0xbc: {  	s0 =	sadd.s32 $0x8F2B, s0  }
0xbd: {  	[sflag:s0] =	ssyncadd.remote.s32 $0x1  }
0xbe: {  	_ =	sfence.sel $0xFFFF  }
0xbf: {  	[dreg:$0x0] =	wrdreg $0xFFFFFFFF;
	(pc) =	sbr.abs _section_cstart, $3  }
0xc0: {  	[dreg:$0x1] =	wrdreg $0xFFFFFFFF  }
0xc1: {  	_ =	task.clear_ibuf [dreg:s6], $0x2FFFF;
	_ =	strace $0x9FFFFFFF  }
0xc2: {  	(tm) =	ssettm $0x7FFFFFFF  }
0xc3: {  	_ =	shalt  }
tec
execute0_lowered:
.L_overlay_start_1:
0x0: {  	(tag) =	ssettag $0x1  }
0x1: {  	s7 =	rddreg [dreg:$0x0]  }
0x2: {  	s2 =	rddreg [dreg:$0x1]  }
0x3: {  	s0 =	rddreg [dreg:$0x2];
	s3 =	simm.s32 $0x0;
	s1 =	stileid.u32  }
0x4: {  	s4 =	srdreg.scid;
	s15 =	simm.s32 $0x100;
	s16 =	simm.s32 $0x0  }
0x5: {  	[smem:$0x7FF] =	sst s3;
	s8 =	smul.u32 $0x13C00, s1;
	s9 =	sand.u32 $0x1, s4  }
0x6: {  	s4 =	sadd.s32 $0x20400, s7;
	s5 =	sadd.s32 $0x1C00, s7;
	s6 =	sadd.s32 $0x16400, s7  }
0x7: {  	s12 =	smul.u32 $0x4F000, s1;
	s29 =	sshll.u32 s1, $0x1;
	s31 =	sshll.u32 s1, $0x6  }
0x8: {  	_ =	strace $0x8000004A;
	s10 =	smul.u32 $0x13C000, s9;
	s26 =	ssub.s32 $0x2, s9  }
0x9: {  	s9 =	sor.u32 s9, s29;
	s11 =	sshrl.u32 s8, $0x3;
	s28 =	sshrl.u32 s26, $0x1  }
0xa: {  	s30 =	sshrl.u32 s12, $0x2;
	s9 =	smul.u32 $0x2800, s9;
	s8 =	sadd.s32 s8, s10  }
0xb: {  	s11 =	sadd.s32 s11, s7;
	s12 =	sadd.s32 s30, s2;
	s8 =	sshrl.u32 s8, $0x3  }
0xc: {  	s14 =	ssub.s32 s26, s28;
	s12 =	sshrl.u32 s12, $0x3;
	s13 =	sadd.s32 s8, s7  }
0xd: {  	s7 =	sadd.s32 $0x47600, s11;
	s8 =	sor.u32 $0x1C01, s31;
	s11 =	smax.u32 s14, $0x1  }
0xe: {  	s14 =	simm.s32 $0x80;
	s10 =	sadd.s32 $0x6EE00, s13;
	s13 =	simm.s32 $0x1  }
.LBB2_1:
0xf: {  	[spmem:s12], [sflag:s8] =	dma.local [hbm:s7], $0x2780  }
0x10: {  	s17 =	sand.u32 $0x3C00, s3  }
0x11: {  	s18 =	sand.u32 $0x380, s3;
	_ =	swait.ge [sflag:s13], $0x2780;
	s17 =	sadd.s32 s9, s17  }
0x12: {  	[sflag:s13] =	ssyncset.done $0x0;
	s17 =	sor.u32 s18, s17  }
0x13: {  	[sflag:s13] =	ssyncadd.s32 $0xFFFFD880;
	s17 =	sshrl.u32 s17, $0x3  }
0x14: {  	[bflag:$0x0] =	sbarrier.arrive $0xFFFF;
	s29 =	sadd.s32 s5, s17  }
0x15: {  	[tilespmem:s3], [sflag:$0x1] =	stream.linear.gather [hbm4b:s29+s3], $0x80, $0x38;
	[tilespmem:$0x17D00] =	vst v63  }
0x16: {  	_ =	swait.ge [sflag:s13], $0x80  }
0x17: {  	[sflag:s13] =	ssyncset.done $0x0  }
0x18: {  	s17 =	sadd.s32 s6, s17;
	[sflag:s13] =	ssyncadd.s32 $0xFFFFFF80  }
0x19: {  	[tilespmem:s14], [sflag:$0x1] =	stream.linear.gather [hbm4b:s17+s3], $0x80, $0x38;
	[tilespmem:$0x17D00] =	vst v63  }
0x1a: {  	_ =	swait.ge [sflag:s13], $0x80  }
0x1b: {  	[sflag:s13] =	ssyncset.done $0x0  }
0x1c: {  	[sflag:s13] =	ssyncadd.s32 $0xFFFFFF80  }
0x1d: {  	[tilespmem:s15], [sflag:$0x1] =	stream.indirect.gather [hbm4b:s4+s14], $0x80, s3, s14, $0xb8;
	[tilespmem:$0x17D00] =	vst v63  }
0x1e: {  	_ =	swait.ge [sflag:s13], $0x4000  }
0x1f: {  	s30 =	simm.s32 $0x80;
	[sflag:s13] =	ssyncset.done $0x0  }
0x20: {  	s31 =	sand.u32 $0x3C00, s30;
	[sflag:s13] =	ssyncadd.s32 $0xFFFFC000  }
0x21: {  	[spmem:s2] =	stream.indirect.scatter.add.f32 [tilespmem:s15], [sflag:$0x1], $0x80, s14, s14, $0xb8;
	[tilespmem:$0x17D00] =	vst v63  }
0x22: {  	s19 =	sand.u32 $0x380, s30;
	s18 =	sadd.s32 s9, s31;
	_ =	swait.ge [sflag:s13], $0x4000  }
0x23: {  	s18 =	sor.u32 s19, s18;
	s17 =	simm.s32 $0x100;
	[sflag:s13] =	ssyncset.done $0x0  }
.LBB2_2:
0x24: {  	s18 =	sshrl.u32 s18, $0x3  }
0x25: {  	[sflag:s13] =	ssyncadd.s32 $0xFFFFC000;
	s19 =	smov.u32 s17;
	s20 =	sadd.s32 $0x80, s17  }
0x26: {  	p0 =	sne.s32 s17, $0x2700;
	s17 =	sadd.s32 s5, s18  }
0x27: {  	[tilespmem:s3], [sflag:$0x1] =	stream.linear.gather [hbm4b:s17+s3], $0x80, $0x38;
	[tilespmem:$0x17D00] =	vst v63  }
0x28: {  	_ =	swait.ge [sflag:s13], $0x80  }
0x29: {  	[sflag:s13] =	ssyncset.done $0x0  }
0x2a: {  	s17 =	sadd.s32 s6, s18;
	[sflag:s13] =	ssyncadd.s32 $0xFFFFFF80  }
0x2b: {  	[tilespmem:s14], [sflag:$0x1] =	stream.linear.gather [hbm4b:s17+s3], $0x80, $0x38;
	[tilespmem:$0x17D00] =	vst v63  }
0x2c: {  	_ =	swait.ge [sflag:s13], $0x80  }
0x2d: {  	[sflag:s13] =	ssyncset.done $0x0  }
0x2e: {  	[sflag:s13] =	ssyncadd.s32 $0xFFFFFF80  }
0x2f: {  	[tilespmem:s15], [sflag:$0x1] =	stream.indirect.gather [hbm4b:s4+s14], $0x80, s3, s14, $0xb8;
	[tilespmem:$0x17D00] =	vst v63  }
0x30: {  	_ =	swait.ge [sflag:s13], $0x4000  }
.Ltmp0:
0x31: {  	[sflag:s13] =	ssyncset.done $0x0;
	(pc) =	sbr.rel @p0 .LBB2_2-.Ltmp0, $4  }
0x32: {  	s17 =	sand.u32 $0x3C00, s19;
	[sflag:s13] =	ssyncadd.s32 $0xFFFFC000  }
0x33: {  	[spmem:s2] =	stream.indirect.scatter.add.f32 [tilespmem:s15], [sflag:$0x1], $0x80, s14, s14, $0xb8;
	[tilespmem:$0x17D00] =	vst v63  }
0x34: {  	s18 =	sand.u32 $0x380, s19;
	s17 =	sadd.s32 s9, s17;
	_ =	swait.ge [sflag:s13], $0x4000  }
0x35: {  	s18 =	sor.u32 s18, s17;
	s17 =	smov.u32 s20;
	[sflag:s13] =	ssyncset.done $0x0  }
0x36: {  	s17 =	sshrl.u32 s18, $0x3  }
0x37: {  	[sflag:s13] =	ssyncadd.s32 $0xFFFFC000;
	s18 =	sadd.s32 s5, s17  }
0x38: {  	[tilespmem:s3], [sflag:$0x1] =	stream.linear.gather [hbm4b:s18+s3], $0x80, $0x38;
	[tilespmem:$0x17D00] =	vst v63  }
0x39: {  	_ =	swait.ge [sflag:s13], $0x80  }
0x3a: {  	[sflag:s13] =	ssyncset.done $0x0  }
0x3b: {  	s17 =	sadd.s32 s6, s17;
	[sflag:s13] =	ssyncadd.s32 $0xFFFFFF80  }
0x3c: {  	[tilespmem:s14], [sflag:$0x1] =	stream.linear.gather [hbm4b:s17+s3], $0x80, $0x38;
	[tilespmem:$0x17D00] =	vst v63  }
0x3d: {  	_ =	swait.ge [sflag:s13], $0x80  }
0x3e: {  	[sflag:s13] =	ssyncset.done $0x0  }
0x3f: {  	[sflag:s13] =	ssyncadd.s32 $0xFFFFFF80  }
0x40: {  	[tilespmem:s15], [sflag:$0x1] =	stream.indirect.gather [hbm4b:s4+s14], $0x80, s3, s14, $0xb8;
	[tilespmem:$0x17D00] =	vst v63  }
0x41: {  	_ =	swait.ge [sflag:s13], $0x4000  }
0x42: {  	[sflag:s13] =	ssyncset.done $0x0  }
0x43: {  	[sflag:s13] =	ssyncadd.s32 $0xFFFFC000  }
0x44: {  	[spmem:s2] =	stream.indirect.scatter.add.f32 [tilespmem:s15], [sflag:$0x1], $0x80, s14, s14, $0xb8;
	[tilespmem:$0x17D00] =	vst v63  }
0x45: {  	_ =	swait.ge [sflag:s13], $0x4000  }
0x46: {  	s16 =	sadd.s32 $0x1, s16;
	[sflag:s13] =	ssyncset.done $0x0  }
0x47: {  	p0 =	sne.s32 s16, s11;
	[sflag:s13] =	ssyncadd.s32 $0xFFFFC000  }
.Ltmp1:
0x48: {  	[bflag:$0x0] =	sbarrier.arrive $0xFFFF;
	(pc) =	sbr.rel @p0 .LBB2_1-.Ltmp1, $4  }
0x49: {  	[hbm:s10], [sflag:s8] =	dma.local [spmem:s12], $0x2780  }
0x4a: {  	_ =	swait.ge [sflag:s13], $0x2780  }
0x4b: {  	[sflag:s13] =	ssyncset.done $0x0  }
0x4c: {  	[sflag:s13] =	ssyncadd.s32 $0xFFFFD880  }
0x4d: {  	_ =	sfence.sel $0x180000  }
0x4e: {  	[bflag:$0x0] =	sbarrier.arrive $0xFFFF  }
0x4f: {  	p0 =	sne.s32 s1, $0x0;
	_ =	strace $0x9000004A  }
0x50: {  	s0 =	sadd.s32 @!p0 $0x100000, s0;
	[bflag:$0x2] =	sbarrier.arrive $0xFFFF  }
0x51: {  	[sflag:s0] =	ssyncadd.tile.s32 @!p0 $0x1;
	_ =	shalt  }
.Lfunc_end2:
_tile_overlayer_lowered:
.L_overlay_start_2:
0x52: {  	(tag) =	ssettag $0x2  }
0x53: {  	s0 =	rddreg [dreg:$0x0];
	s2 =	stileid.u32  }
0x54: {  	s1 =	rddreg [dreg:$0x1];
	p0 =	sne.s32 s2, $0x0  }
0x55: {  	s3 =	rddreg [dreg:$0x2];
	[bflag:$0x3] =	sbarrier.arrive $0xFFFF;
	s2 =	simm.s32 @!p0 $0x1C01  }
0x56: {  	[timem:s3], [sflag:s2] =	dma.local @!p0 [hbm:s0], s1  }
0x57: {  	s0 =	simm.s32 @!p0 $0x1  }
0x58: {  	_ =	swait.ge @!p0 [sflag:s0], s1  }
0x59: {  	s1 =	ssub.s32 @!p0 $0x0, s1;
	[sflag:s0] =	ssyncset.done @!p0 $0x0  }
0x5a: {  	[sflag:s0] =	ssyncadd.s32 @!p0 s1  }
0x5b: {  	[bflag:$0x3] =	sbarrier.arrive $0xFFFF  }
0x5c: {  	_ =	shalt  }

// kernel: kernel.14.cloned.1.call-start
scs
__scs_entry_jumppad:
0x0: {  	(pc) =	sbr.rel $0x88, $3  }
0x1: {  	(tag) =	ssettag $0x0;
	lr =	simm.s32 $0x1  }
0x2: {  	[smem:$0x3F9D] =	sst lr;
	_ =	strace $0xD0000000  }
0x3: {  	_ = 	snop  }
0x4: {  	_ = 	snop  }
0x5: {  	_ = 	snop  }
0x6: {  	_ = 	snop  }
0x7: {  	_ = 	snop  }
__scs_overlays_trampoline_lowered:
0x8: {  	[smem:$0x3FAC] =	sst s0  }
0x9: {  	[smem:$0x3FAD] =	sst s1  }
0xa: {  	[smem:$0x3FAE] =	sst s2  }
0xb: {  	[smem:$0x3FAF] =	sst s3  }
0xc: {  	[smem:$0x3FB0] =	sst s4  }
0xd: {  	[smem:$0x3FB1] =	sst s5  }
0xe: {  	[smem:$0x3FB2] =	sst s6  }
0xf: {  	[smem:$0x3FB3] =	sst s7  }
0x10: {  	[smem:$0x3FB4] =	sst s8  }
0x11: {  	[smem:$0x3FB5] =	sst s9;
	s0 =	simm.s32 @!p0 $0x0  }
0x12: {  	s1 =	sld [smem:$0x3F9B];
	s0 =	simm.s32 @p0 $0x1  }
0x13: {  	[smem:$0x3FB6] =	sst s0;
	s0 =	simm.s32 @!p1 $0x0  }
0x14: {  	s2 =	sld [smem:$0x3F9A];
	s0 =	simm.s32 @p1 $0x1  }
0x15: {  	[smem:$0x3FB7] =	sst s0;
	s0 =	simm.s32 @!p2 $0x0  }
0x16: {  	s3 =	sld [smem:$0x3FDB];
	s0 =	simm.s32 @p2 $0x1  }
0x17: {  	s4 =	simm.s32 $0x1BF5;
	[smem:$0x3FB9] =	sst s0  }
0x18: {  	s0 =	sld [smem:$0x3F9C];
	_ =	swait.ge [sflag:s4], $0x0  }
0x19: {  	s7 =	sld [smem:$0x3F9D]  }
0x1a: {  	s8 =	sadd.s32 $0xFFFFE003, lr  }
0x1b: {  	s9 =	sadd.s32 $0xFFFFFEF7, lr;
	s5 =	simm.s32 $0xFFFFFFFF;
	p2 =	slt.u32 s8, $0xFFFFF086  }
0x1c: {  	p1 =	slt.u32 s9, $0xF7A;
	s5 =	simm.s32 @!p2 $0x0  }
0x1d: {  	s5 =	simm.s32 @p1 $0x1;
	p0 =	seq.s32 s7, s2  }
0x1e: {  	s7 =	smul.u32 @!p0 $0xF7A, s2;
	p2 =	seq.s32 @!p0 s5, $0x0  }
0x1f: {  	s9 =	smul.u32 $0xF7A, s1;
	s8 =	simm.s32 @!p0 $0x1BF5;
	p2 =	por !p2, p0  }
0x20: {  	[sflag:s8] =	ssyncset.s32 @!p0 $0xFFFFF086;
	s6 =	sadd.s32 @!p0 s3, s7;
	s7 =	simm.s32 @!p0 $0x108  }
0x21: {  	s3 =	sadd.s32 s3, s9;
	s6 =	sadd.s32 @!p0 $0x88, s6;
	s7 =	simm.s32 @p2 $0x1082  }
0x22: {  	[simem:s7], [sflag:s8] =	dma.local @!p0 [hbm:s6], $0xF7A  }
0x23: {  	s9 =	sor.u32 $0xD0000000, s2;
	s6 =	simm.s32 $0x108;
	_ =	swait.ge @!p0 [sflag:s8], $0x0  }
0x24: {  	s3 =	sadd.s32 $0x88, s3;
	s6 =	simm.s32 @!p1 $0x1082;
	[sflag:s4] =	ssyncset.s32 $0xFFFFF086  }
0x25: {  	[simem:s6], [sflag:s4] =	dma.local [hbm:s3], $0xF7A  }
0x26: {  	[smem:$0x3F9D] =	sst s1;
	(tag) =	ssettag s2;
	_ =	strace s9  }
0x27: {  	s1 =	sld [smem:$0x3FAD]  }
0x28: {  	s2 =	sld [smem:$0x3FAE]  }
0x29: {  	s4 =	sld [smem:$0x3FB0]  }
0x2a: {  	p0 =	seq.s32 s5, $0x0;
	s5 =	sld [smem:$0x3FB1]  }
0x2b: {  	s6 =	sld [smem:$0x3FB2]  }
0x2c: {  	s7 =	sld [smem:$0x3FB3]  }
0x2d: {  	s3 =	simm.s32 $0x108;
	s8 =	sld [smem:$0x3FB4]  }
0x2e: {  	s3 =	simm.s32 @!p0 $0x1082;
	s9 =	sld [smem:$0x3FB5]  }
0x2f: {  	lr =	sadd.s32 s0, s3;
	s0 =	sld [smem:$0x3FAC]  }
0x30: {  	s3 =	sld [smem:$0x3FAF]  }
0x31: {  	[smem:$0x3FB8] =	sst s10  }
0x32: {  	s10 =	sld [smem:$0x3FB6];
	_ =	sdelay $0x3  }
0x33: {  	p0 =	seq.s32 s10, $0x1;
	s10 =	sld [smem:$0x3FB8];
	_ =	sdelay $0x3  }
0x34: {  	[smem:$0x3FB8] =	sst s10  }
0x35: {  	s10 =	sld [smem:$0x3FB7];
	_ =	sdelay $0x3  }
0x36: {  	p1 =	seq.s32 s10, $0x1;
	s10 =	sld [smem:$0x3FB8];
	_ =	sdelay $0x3  }
0x37: {  	[smem:$0x3FB8] =	sst s10  }
0x38: {  	s10 =	sld [smem:$0x3FB9]  }
0x39: {  	_ = 	snop;
	(pc) =	sbr.ind lr, $3  }
0x3a: {  	_ = 	snop  }
0x3b: {  	_ = 	snop  }
0x3c: {  	p2 =	seq.s32 s10, $0x1;
	s10 =	sld [smem:$0x3FB8]  }
0x3d: {  	_ =	shalt  }
0x3e: {  	_ =	shalt  }
0x3f: {  	_ =	shalt  }
0x40: {  	_ =	shalt  }
0x41: {  	_ =	shalt  }
0x42: {  	_ =	shalt  }
0x43: {  	_ =	shalt  }
0x44: {  	_ =	shalt  }
0x45: {  	_ =	shalt  }
0x46: {  	_ =	shalt  }
0x47: {  	_ =	shalt  }
0x48: {  	_ =	shalt  }
0x49: {  	_ =	shalt  }
0x4a: {  	_ =	shalt  }
0x4b: {  	_ =	shalt  }
0x4c: {  	_ =	shalt  }
0x4d: {  	_ =	shalt  }
0x4e: {  	_ =	shalt  }
0x4f: {  	_ =	shalt  }
0x50: {  	_ =	shalt  }
0x51: {  	_ =	shalt  }
0x52: {  	_ =	shalt  }
0x53: {  	_ =	shalt  }
0x54: {  	_ =	shalt  }
0x55: {  	_ =	shalt  }
0x56: {  	_ =	shalt  }
0x57: {  	_ =	shalt  }
0x58: {  	_ =	shalt  }
0x59: {  	_ =	shalt  }
0x5a: {  	_ =	shalt  }
0x5b: {  	_ =	shalt  }
0x5c: {  	_ =	shalt  }
0x5d: {  	_ =	shalt  }
0x5e: {  	_ =	shalt  }
0x5f: {  	_ =	shalt  }
0x60: {  	_ =	shalt  }
0x61: {  	_ =	shalt  }
0x62: {  	_ =	shalt  }
0x63: {  	_ =	shalt  }
0x64: {  	_ =	shalt  }
0x65: {  	_ =	shalt  }
0x66: {  	_ =	shalt  }
0x67: {  	_ =	shalt  }
0x68: {  	_ =	shalt  }
0x69: {  	_ =	shalt  }
0x6a: {  	_ =	shalt  }
0x6b: {  	_ =	shalt  }
0x6c: {  	_ =	shalt  }
0x6d: {  	_ =	shalt  }
0x6e: {  	_ =	shalt  }
0x6f: {  	_ =	shalt  }
0x70: {  	_ =	shalt  }
0x71: {  	_ =	shalt  }
0x72: {  	_ =	shalt  }
0x73: {  	_ =	shalt  }
0x74: {  	_ =	shalt  }
0x75: {  	_ =	shalt  }
0x76: {  	_ =	shalt  }
0x77: {  	_ =	shalt  }
0x78: {  	_ =	shalt  }
0x79: {  	_ =	shalt  }
0x7a: {  	_ =	shalt  }
0x7b: {  	_ =	shalt  }
0x7c: {  	_ =	shalt  }
0x7d: {  	_ =	shalt  }
0x7e: {  	_ =	shalt  }
0x7f: {  	_ =	shalt  }
0x80: {  	_ =	shalt  }
0x81: {  	_ =	shalt  }
0x82: {  	_ =	shalt  }
0x83: {  	_ =	shalt  }
0x84: {  	_ =	shalt  }
0x85: {  	_ =	shalt  }
0x86: {  	_ =	shalt  }
0x87: {  	_ =	shalt  }
.Lfunc_end0:
.L_simem_size_0:
called_computation.2_lowered:
.L_overlay_start_0:
0x88: {  	s2 =	sld [smem:$0x3FD9]  }
0x89: {  	s3 =	sld [smem:$0x3FFE];
	_ =	sdelay $0x1  }
0x8a: {  	s1 =	srdreg.scid  }
0x8b: {  	s0 =	sand.u32 $0x1, s1  }
0x8c: {  	s16 =	sshll.u32 s0, $0xA;
	s2 =	sadd.s32 s3, s2  }
0x8d: {  	s2 =	sadd.s32 s2, s16  }
0x8e: {  	[smem:$0x3FC4] =	sst s2  }
0x8f: {  	_ = 	snop  }
0x90: {  	(tm) =	ssettm $0x1  }
0x91: {  	s17 =	sld [smem:$0x3FFB];
	_ =	sdelay $0x3  }
0x92: {  	_ =	strace s17  }
0x93: {  	s2 =	sld [smem:$0x3FFC];
	_ =	sdelay $0x3  }
0x94: {  	_ =	strace s2  }
0x95: {  	s2 =	sld [smem:$0x3FFD];
	_ =	sdelay $0x3  }
0x96: {  	_ =	strace s2  }
0x97: {  	_ =	strace $0x8FFFFFFF  }
0x98: {  	s18 =	sld [smem:$0x3FDB];
	_ =	sdelay $0x1  }
0x99: {  	s19 =	simm.s32 $_scs_section_size  }
0x9a: {  	s4 =	simm.s32 $_size__tile_overlayer_lowered;
	s5 =	simm.s32 $_tile_overlayer_lowered  }
0x9b: {  	s22 =	simm.s32 $0x1BFF;
	s21 =	sshll.u32 s5, $0x1;
	s2 =	sadd.s32 s19, s18  }
0x9c: {  	s6 =	simm.s32 $0x0;
	s20 =	sshll.u32 s4, $0x1;
	s4 =	sadd.s32 s21, s2  }
0x9d: {  	[timem:s6], [sflag:s22] =	dma.local [hbm:s4], s20  }
0x9e: {  	_ =	swait.ge [sflag:s22], s20  }
0x9f: {  	s3 =	ssub.s32 $0x0, s20;
	[sflag:s22] =	ssyncset.done $0x0  }
0xa0: {  	[sflag:s22] =	ssyncadd.s32 s3;
	_ =	sdelay $0x1  }
0xa1: {  	s23 =	simm.s32 $0x1B8B  }
0xa2: {  	_ =	swait.ge [sflag:s23], $0x1  }
0xa3: {  	[sflag:s23] =	ssyncset.done $0x0  }
0xa4: {  	s25 =	simm.s32 $0x1B8E;
	s24 =	sld [smem:$0x3FFE];
	[sflag:s23] =	ssyncadd.s32 $0xFFFFFFFF  }
0xa5: {  	s26 =	simm.s32 $execute0_lowered;
	[smem:$0x3FD2] =	sst s25  }
0xa6: {  	s4 =	sshll.u32 s26, $0x1;
	_ =	strace $0x8000004C;
	[dreg:$0x1] =	wrdreg $0xFFFFFFFF  }
0xa7: {  	s28 =	simm.s32 $_size_execute0_lowered;
	s2 =	sadd.s32 s2, s4;
	[dreg:$0x0] =	wrdreg $0x0  }
0xa8: {  	s4 =	sshll.u32 s28, $0x1;
	[dreg:$0x2] =	wrdreg s2  }
0xa9: {  	[dreg:$0x3] =	wrdreg s4  }
0xaa: {  	[dreg:$0x4] =	wrdreg $0xC0  }
0xab: {  	_ =	task [dreg:s6], $0x5FFFF  }
0xac: {  	[dreg:$0x1] =	wrdreg $0xFFFFFFFF  }
0xad: {  	[dreg:$0x0] =	wrdreg $0x60  }
0xae: {  	[dreg:$0x2] =	wrdreg s24  }
0xaf: {  	[dreg:$0x3] =	wrdreg $0x41000  }
0xb0: {  	[dreg:$0x4] =	wrdreg $0x9  }
0xb1: {  	_ =	task.clear_ibuf [dreg:s6], $0x5FFFF;
	_ =	strace $0x9000004C  }
0xb2: {  	s29 =	simm.s32 $0x9;
	_ =	strace $0x8000004E  }
0xb3: {  	_ =	swait.ge [sflag:s29], $0x1  }
0xb4: {  	[sflag:s29] =	ssyncadd.s32 $0xFFFFFFFF  }
0xb5: {  	_ =	strace $0x9000004E  }
0xb6: {  	_ =	sfence  }
0xb7: {  	s30 =	sld [smem:$0x0];
	_ =	sdelay $0x2  }
0xb8: {  	s31 =	sshll.u32 s1, $0xD;
	s1 =	sshrl.u32 s1, $0x2  }
0xb9: {  	s3 =	sand.u32 $0x4000, s31;
	s1 =	sadd.s32 s1, s30  }
0xba: {  	s0 =	sor.u32 s3, s0;
	s1 =	sshll.u32 s1, $0x11  }
0xbb: {  	s0 =	sor.u32 s1, s0  }
0xbc: {  	s0 =	sadd.s32 $0x8F2B, s0  }
0xbd: {  	[sflag:s0] =	ssyncadd.remote.s32 $0x1  }
0xbe: {  	_ =	sfence.sel $0xFFFF  }
0xbf: {  	[dreg:$0x0] =	wrdreg $0xFFFFFFFF;
	(pc) =	sbr.abs _section_cstart, $3  }
0xc0: {  	[dreg:$0x1] =	wrdreg $0xFFFFFFFF  }
0xc1: {  	_ =	task.clear_ibuf [dreg:s6], $0x2FFFF;
	_ =	strace $0x9FFFFFFF  }
0xc2: {  	(tm) =	ssettm $0x7FFFFFFF  }
0xc3: {  	_ =	shalt  }
tec
execute0_lowered:
.L_overlay_start_1:
0x0: {  	(tag) =	ssettag $0x1  }
0x1: {  	s7 =	rddreg [dreg:$0x0]  }
0x2: {  	s2 =	rddreg [dreg:$0x1]  }
0x3: {  	s0 =	rddreg [dreg:$0x2];
	s3 =	simm.s32 $0x0;
	s1 =	stileid.u32  }
0x4: {  	s4 =	srdreg.scid;
	s15 =	simm.s32 $0x100;
	s16 =	simm.s32 $0x0  }
0x5: {  	[smem:$0x7FF] =	sst s3;
	s8 =	smul.u32 $0x13C00, s1;
	s9 =	sand.u32 $0x1, s4  }
0x6: {  	s4 =	sadd.s32 $0x20400, s7;
	s5 =	sadd.s32 $0x1C00, s7;
	s6 =	sadd.s32 $0x16400, s7  }
0x7: {  	s12 =	smul.u32 $0x4F000, s1;
	s29 =	sshll.u32 s1, $0x1;
	s31 =	sshll.u32 s1, $0x6  }
0x8: {  	_ =	strace $0x8000004D;
	s10 =	smul.u32 $0x13C000, s9;
	s26 =	ssub.s32 $0x2, s9  }
0x9: {  	s9 =	sor.u32 s9, s29;
	s11 =	sshrl.u32 s8, $0x3;
	s28 =	sshrl.u32 s26, $0x1  }
0xa: {  	s30 =	sshrl.u32 s12, $0x2;
	s9 =	smul.u32 $0x2800, s9;
	s8 =	sadd.s32 s8, s10  }
0xb: {  	s11 =	sadd.s32 s11, s7;
	s12 =	sadd.s32 s30, s2;
	s8 =	sshrl.u32 s8, $0x3  }
0xc: {  	s14 =	ssub.s32 s26, s28;
	s12 =	sshrl.u32 s12, $0x3;
	s13 =	sadd.s32 s8, s7  }
0xd: {  	s7 =	sadd.s32 $0x47600, s11;
	s8 =	sor.u32 $0x1C01, s31;
	s11 =	smax.u32 s14, $0x1  }
0xe: {  	s14 =	simm.s32 $0x80;
	s10 =	sadd.s32 $0x6EE00, s13;
	s13 =	simm.s32 $0x1  }
.LBB2_1:
0xf: {  	[spmem:s12], [sflag:s8] =	dma.local [hbm:s7], $0x2780  }
0x10: {  	s17 =	sand.u32 $0x3C00, s3  }
0x11: {  	s18 =	sand.u32 $0x380, s3;
	_ =	swait.ge [sflag:s13], $0x2780;
	s17 =	sadd.s32 s9, s17  }
0x12: {  	[sflag:s13] =	ssyncset.done $0x0;
	s17 =	sor.u32 s18, s17  }
0x13: {  	[sflag:s13] =	ssyncadd.s32 $0xFFFFD880;
	s17 =	sshrl.u32 s17, $0x3  }
0x14: {  	[bflag:$0x0] =	sbarrier.arrive $0xFFFF;
	s29 =	sadd.s32 s5, s17  }
0x15: {  	[tilespmem:s3], [sflag:$0x1] =	stream.linear.gather [hbm4b:s29+s3], $0x80, $0x38;
	[tilespmem:$0x17D00] =	vst v63  }
0x16: {  	_ =	swait.ge [sflag:s13], $0x80  }
0x17: {  	[sflag:s13] =	ssyncset.done $0x0  }
0x18: {  	s17 =	sadd.s32 s6, s17;
	[sflag:s13] =	ssyncadd.s32 $0xFFFFFF80  }
0x19: {  	[tilespmem:s14], [sflag:$0x1] =	stream.linear.gather [hbm4b:s17+s3], $0x80, $0x38;
	[tilespmem:$0x17D00] =	vst v63  }
0x1a: {  	_ =	swait.ge [sflag:s13], $0x80  }
0x1b: {  	[sflag:s13] =	ssyncset.done $0x0  }
0x1c: {  	[sflag:s13] =	ssyncadd.s32 $0xFFFFFF80  }
0x1d: {  	[tilespmem:s15], [sflag:$0x1] =	stream.indirect.gather [hbm4b:s4+s14], $0x80, s3, s14, $0xb8;
	[tilespmem:$0x17D00] =	vst v63  }
0x1e: {  	_ =	swait.ge [sflag:s13], $0x4000  }
0x1f: {  	s30 =	simm.s32 $0x80;
	[sflag:s13] =	ssyncset.done $0x0  }
0x20: {  	s31 =	sand.u32 $0x3C00, s30;
	[sflag:s13] =	ssyncadd.s32 $0xFFFFC000  }
0x21: {  	[spmem:s2] =	stream.indirect.scatter.add.f32 [tilespmem:s15], [sflag:$0x1], $0x80, s14, s14, $0xb8;
	[tilespmem:$0x17D00] =	vst v63  }
0x22: {  	s19 =	sand.u32 $0x380, s30;
	s18 =	sadd.s32 s9, s31;
	_ =	swait.ge [sflag:s13], $0x4000  }
0x23: {  	s18 =	sor.u32 s19, s18;
	s17 =	simm.s32 $0x100;
	[sflag:s13] =	ssyncset.done $0x0  }
.LBB2_2:
0x24: {  	s18 =	sshrl.u32 s18, $0x3  }
0x25: {  	[sflag:s13] =	ssyncadd.s32 $0xFFFFC000;
	s19 =	smov.u32 s17;
	s20 =	sadd.s32 $0x80, s17  }
0x26: {  	p0 =	sne.s32 s17, $0x2700;
	s17 =	sadd.s32 s5, s18  }
0x27: {  	[tilespmem:s3], [sflag:$0x1] =	stream.linear.gather [hbm4b:s17+s3], $0x80, $0x38;
	[tilespmem:$0x17D00] =	vst v63  }
0x28: {  	_ =	swait.ge [sflag:s13], $0x80  }
0x29: {  	[sflag:s13] =	ssyncset.done $0x0  }
0x2a: {  	s17 =	sadd.s32 s6, s18;
	[sflag:s13] =	ssyncadd.s32 $0xFFFFFF80  }
0x2b: {  	[tilespmem:s14], [sflag:$0x1] =	stream.linear.gather [hbm4b:s17+s3], $0x80, $0x38;
	[tilespmem:$0x17D00] =	vst v63  }
0x2c: {  	_ =	swait.ge [sflag:s13], $0x80  }
0x2d: {  	[sflag:s13] =	ssyncset.done $0x0  }
0x2e: {  	[sflag:s13] =	ssyncadd.s32 $0xFFFFFF80  }
0x2f: {  	[tilespmem:s15], [sflag:$0x1] =	stream.indirect.gather [hbm4b:s4+s14], $0x80, s3, s14, $0xb8;
	[tilespmem:$0x17D00] =	vst v63  }
0x30: {  	_ =	swait.ge [sflag:s13], $0x4000  }
.Ltmp0:
0x31: {  	[sflag:s13] =	ssyncset.done $0x0;
	(pc) =	sbr.rel @p0 .LBB2_2-.Ltmp0, $4  }
0x32: {  	s17 =	sand.u32 $0x3C00, s19;
	[sflag:s13] =	ssyncadd.s32 $0xFFFFC000  }
0x33: {  	[spmem:s2] =	stream.indirect.scatter.add.f32 [tilespmem:s15], [sflag:$0x1], $0x80, s14, s14, $0xb8;
	[tilespmem:$0x17D00] =	vst v63  }
0x34: {  	s18 =	sand.u32 $0x380, s19;
	s17 =	sadd.s32 s9, s17;
	_ =	swait.ge [sflag:s13], $0x4000  }
0x35: {  	s18 =	sor.u32 s18, s17;
	s17 =	smov.u32 s20;
	[sflag:s13] =	ssyncset.done $0x0  }
0x36: {  	s17 =	sshrl.u32 s18, $0x3  }
0x37: {  	[sflag:s13] =	ssyncadd.s32 $0xFFFFC000;
	s18 =	sadd.s32 s5, s17  }
0x38: {  	[tilespmem:s3], [sflag:$0x1] =	stream.linear.gather [hbm4b:s18+s3], $0x80, $0x38;
	[tilespmem:$0x17D00] =	vst v63  }
0x39: {  	_ =	swait.ge [sflag:s13], $0x80  }
0x3a: {  	[sflag:s13] =	ssyncset.done $0x0  }
0x3b: {  	s17 =	sadd.s32 s6, s17;
	[sflag:s13] =	ssyncadd.s32 $0xFFFFFF80  }
0x3c: {  	[tilespmem:s14], [sflag:$0x1] =	stream.linear.gather [hbm4b:s17+s3], $0x80, $0x38;
	[tilespmem:$0x17D00] =	vst v63  }
0x3d: {  	_ =	swait.ge [sflag:s13], $0x80  }
0x3e: {  	[sflag:s13] =	ssyncset.done $0x0  }
0x3f: {  	[sflag:s13] =	ssyncadd.s32 $0xFFFFFF80  }
0x40: {  	[tilespmem:s15], [sflag:$0x1] =	stream.indirect.gather [hbm4b:s4+s14], $0x80, s3, s14, $0xb8;
	[tilespmem:$0x17D00] =	vst v63  }
0x41: {  	_ =	swait.ge [sflag:s13], $0x4000  }
0x42: {  	[sflag:s13] =	ssyncset.done $0x0  }
0x43: {  	[sflag:s13] =	ssyncadd.s32 $0xFFFFC000  }
0x44: {  	[spmem:s2] =	stream.indirect.scatter.add.f32 [tilespmem:s15], [sflag:$0x1], $0x80, s14, s14, $0xb8;
	[tilespmem:$0x17D00] =	vst v63  }
0x45: {  	_ =	swait.ge [sflag:s13], $0x4000  }
0x46: {  	s16 =	sadd.s32 $0x1, s16;
	[sflag:s13] =	ssyncset.done $0x0  }
0x47: {  	p0 =	sne.s32 s16, s11;
	[sflag:s13] =	ssyncadd.s32 $0xFFFFC000  }
.Ltmp1:
0x48: {  	[bflag:$0x0] =	sbarrier.arrive $0xFFFF;
	(pc) =	sbr.rel @p0 .LBB2_1-.Ltmp1, $4  }
0x49: {  	[hbm:s10], [sflag:s8] =	dma.local [spmem:s12], $0x2780  }
0x4a: {  	_ =	swait.ge [sflag:s13], $0x2780  }
0x4b: {  	[sflag:s13] =	ssyncset.done $0x0  }
0x4c: {  	[sflag:s13] =	ssyncadd.s32 $0xFFFFD880  }
0x4d: {  	_ =	sfence.sel $0x180000  }
0x4e: {  	[bflag:$0x0] =	sbarrier.arrive $0xFFFF  }
0x4f: {  	p0 =	sne.s32 s1, $0x0;
	_ =	strace $0x9000004D  }
0x50: {  	s0 =	sadd.s32 @!p0 $0x100000, s0;
	[bflag:$0x2] =	sbarrier.arrive $0xFFFF  }
0x51: {  	[sflag:s0] =	ssyncadd.tile.s32 @!p0 $0x1;
	_ =	shalt  }
.Lfunc_end2:
_tile_overlayer_lowered:
.L_overlay_start_2:
0x52: {  	(tag) =	ssettag $0x2  }
0x53: {  	s0 =	rddreg [dreg:$0x0];
	s2 =	stileid.u32  }
0x54: {  	s1 =	rddreg [dreg:$0x1];
	p0 =	sne.s32 s2, $0x0  }
0x55: {  	s3 =	rddreg [dreg:$0x2];
	[bflag:$0x3] =	sbarrier.arrive $0xFFFF;
	s2 =	simm.s32 @!p0 $0x1C01  }
0x56: {  	[timem:s3], [sflag:s2] =	dma.local @!p0 [hbm:s0], s1  }
0x57: {  	s0 =	simm.s32 @!p0 $0x1  }
0x58: {  	_ =	swait.ge @!p0 [sflag:s0], s1  }
0x59: {  	s1 =	ssub.s32 @!p0 $0x0, s1;
	[sflag:s0] =	ssyncset.done @!p0 $0x0  }
0x5a: {  	[sflag:s0] =	ssyncadd.s32 @!p0 s1  }
0x5b: {  	[bflag:$0x3] =	sbarrier.arrive $0xFFFF  }
0x5c: {  	_ =	shalt  }

// kernel: kernel.8.cloned.1.call-start
scs
__scs_entry_jumppad:
0x0: {  	(pc) =	sbr.rel $0x88, $3  }
0x1: {  	(tag) =	ssettag $0x0;
	lr =	simm.s32 $0x1  }
0x2: {  	[smem:$0x3F9D] =	sst lr;
	_ =	strace $0xD0000000  }
0x3: {  	_ = 	snop  }
0x4: {  	_ = 	snop  }
0x5: {  	_ = 	snop  }
0x6: {  	_ = 	snop  }
0x7: {  	_ = 	snop  }
__scs_overlays_trampoline_lowered:
0x8: {  	[smem:$0x3FAC] =	sst s0  }
0x9: {  	[smem:$0x3FAD] =	sst s1  }
0xa: {  	[smem:$0x3FAE] =	sst s2  }
0xb: {  	[smem:$0x3FAF] =	sst s3  }
0xc: {  	[smem:$0x3FB0] =	sst s4  }
0xd: {  	[smem:$0x3FB1] =	sst s5  }
0xe: {  	[smem:$0x3FB2] =	sst s6  }
0xf: {  	[smem:$0x3FB3] =	sst s7  }
0x10: {  	[smem:$0x3FB4] =	sst s8  }
0x11: {  	[smem:$0x3FB5] =	sst s9;
	s0 =	simm.s32 @!p0 $0x0  }
0x12: {  	s1 =	sld [smem:$0x3F9B];
	s0 =	simm.s32 @p0 $0x1  }
0x13: {  	[smem:$0x3FB6] =	sst s0;
	s0 =	simm.s32 @!p1 $0x0  }
0x14: {  	s2 =	sld [smem:$0x3F9A];
	s0 =	simm.s32 @p1 $0x1  }
0x15: {  	[smem:$0x3FB7] =	sst s0;
	s0 =	simm.s32 @!p2 $0x0  }
0x16: {  	s3 =	sld [smem:$0x3FDB];
	s0 =	simm.s32 @p2 $0x1  }
0x17: {  	s4 =	simm.s32 $0x1BF5;
	[smem:$0x3FB9] =	sst s0  }
0x18: {  	s0 =	sld [smem:$0x3F9C];
	_ =	swait.ge [sflag:s4], $0x0  }
0x19: {  	s7 =	sld [smem:$0x3F9D]  }
0x1a: {  	s8 =	sadd.s32 $0xFFFFE003, lr  }
0x1b: {  	s9 =	sadd.s32 $0xFFFFFEF7, lr;
	s5 =	simm.s32 $0xFFFFFFFF;
	p2 =	slt.u32 s8, $0xFFFFF086  }
0x1c: {  	p1 =	slt.u32 s9, $0xF7A;
	s5 =	simm.s32 @!p2 $0x0  }
0x1d: {  	s5 =	simm.s32 @p1 $0x1;
	p0 =	seq.s32 s7, s2  }
0x1e: {  	s7 =	smul.u32 @!p0 $0xF7A, s2;
	p2 =	seq.s32 @!p0 s5, $0x0  }
0x1f: {  	s9 =	smul.u32 $0xF7A, s1;
	s8 =	simm.s32 @!p0 $0x1BF5;
	p2 =	por !p2, p0  }
0x20: {  	[sflag:s8] =	ssyncset.s32 @!p0 $0xFFFFF086;
	s6 =	sadd.s32 @!p0 s3, s7;
	s7 =	simm.s32 @!p0 $0x108  }
0x21: {  	s3 =	sadd.s32 s3, s9;
	s6 =	sadd.s32 @!p0 $0x88, s6;
	s7 =	simm.s32 @p2 $0x1082  }
0x22: {  	[simem:s7], [sflag:s8] =	dma.local @!p0 [hbm:s6], $0xF7A  }
0x23: {  	s9 =	sor.u32 $0xD0000000, s2;
	s6 =	simm.s32 $0x108;
	_ =	swait.ge @!p0 [sflag:s8], $0x0  }
0x24: {  	s3 =	sadd.s32 $0x88, s3;
	s6 =	simm.s32 @!p1 $0x1082;
	[sflag:s4] =	ssyncset.s32 $0xFFFFF086  }
0x25: {  	[simem:s6], [sflag:s4] =	dma.local [hbm:s3], $0xF7A  }
0x26: {  	[smem:$0x3F9D] =	sst s1;
	(tag) =	ssettag s2;
	_ =	strace s9  }
0x27: {  	s1 =	sld [smem:$0x3FAD]  }
0x28: {  	s2 =	sld [smem:$0x3FAE]  }
0x29: {  	s4 =	sld [smem:$0x3FB0]  }
0x2a: {  	p0 =	seq.s32 s5, $0x0;
	s5 =	sld [smem:$0x3FB1]  }
0x2b: {  	s6 =	sld [smem:$0x3FB2]  }
0x2c: {  	s7 =	sld [smem:$0x3FB3]  }
0x2d: {  	s3 =	simm.s32 $0x108;
	s8 =	sld [smem:$0x3FB4]  }
0x2e: {  	s3 =	simm.s32 @!p0 $0x1082;
	s9 =	sld [smem:$0x3FB5]  }
0x2f: {  	lr =	sadd.s32 s0, s3;
	s0 =	sld [smem:$0x3FAC]  }
0x30: {  	s3 =	sld [smem:$0x3FAF]  }
0x31: {  	[smem:$0x3FB8] =	sst s10  }
0x32: {  	s10 =	sld [smem:$0x3FB6];
	_ =	sdelay $0x3  }
0x33: {  	p0 =	seq.s32 s10, $0x1;
	s10 =	sld [smem:$0x3FB8];
	_ =	sdelay $0x3  }
0x34: {  	[smem:$0x3FB8] =	sst s10  }
0x35: {  	s10 =	sld [smem:$0x3FB7];
	_ =	sdelay $0x3  }
0x36: {  	p1 =	seq.s32 s10, $0x1;
	s10 =	sld [smem:$0x3FB8];
	_ =	sdelay $0x3  }
0x37: {  	[smem:$0x3FB8] =	sst s10  }
0x38: {  	s10 =	sld [smem:$0x3FB9]  }
0x39: {  	_ = 	snop;
	(pc) =	sbr.ind lr, $3  }
0x3a: {  	_ = 	snop  }
0x3b: {  	_ = 	snop  }
0x3c: {  	p2 =	seq.s32 s10, $0x1;
	s10 =	sld [smem:$0x3FB8]  }
0x3d: {  	_ =	shalt  }
0x3e: {  	_ =	shalt  }
0x3f: {  	_ =	shalt  }
0x40: {  	_ =	shalt  }
0x41: {  	_ =	shalt  }
0x42: {  	_ =	shalt  }
0x43: {  	_ =	shalt  }
0x44: {  	_ =	shalt  }
0x45: {  	_ =	shalt  }
0x46: {  	_ =	shalt  }
0x47: {  	_ =	shalt  }
0x48: {  	_ =	shalt  }
0x49: {  	_ =	shalt  }
0x4a: {  	_ =	shalt  }
0x4b: {  	_ =	shalt  }
0x4c: {  	_ =	shalt  }
0x4d: {  	_ =	shalt  }
0x4e: {  	_ =	shalt  }
0x4f: {  	_ =	shalt  }
0x50: {  	_ =	shalt  }
0x51: {  	_ =	shalt  }
0x52: {  	_ =	shalt  }
0x53: {  	_ =	shalt  }
0x54: {  	_ =	shalt  }
0x55: {  	_ =	shalt  }
0x56: {  	_ =	shalt  }
0x57: {  	_ =	shalt  }
0x58: {  	_ =	shalt  }
0x59: {  	_ =	shalt  }
0x5a: {  	_ =	shalt  }
0x5b: {  	_ =	shalt  }
0x5c: {  	_ =	shalt  }
0x5d: {  	_ =	shalt  }
0x5e: {  	_ =	shalt  }
0x5f: {  	_ =	shalt  }
0x60: {  	_ =	shalt  }
0x61: {  	_ =	shalt  }
0x62: {  	_ =	shalt  }
0x63: {  	_ =	shalt  }
0x64: {  	_ =	shalt  }
0x65: {  	_ =	shalt  }
0x66: {  	_ =	shalt  }
0x67: {  	_ =	shalt  }
0x68: {  	_ =	shalt  }
0x69: {  	_ =	shalt  }
0x6a: {  	_ =	shalt  }
0x6b: {  	_ =	shalt  }
0x6c: {  	_ =	shalt  }
0x6d: {  	_ =	shalt  }
0x6e: {  	_ =	shalt  }
0x6f: {  	_ =	shalt  }
0x70: {  	_ =	shalt  }
0x71: {  	_ =	shalt  }
0x72: {  	_ =	shalt  }
0x73: {  	_ =	shalt  }
0x74: {  	_ =	shalt  }
0x75: {  	_ =	shalt  }
0x76: {  	_ =	shalt  }
0x77: {  	_ =	shalt  }
0x78: {  	_ =	shalt  }
0x79: {  	_ =	shalt  }
0x7a: {  	_ =	shalt  }
0x7b: {  	_ =	shalt  }
0x7c: {  	_ =	shalt  }
0x7d: {  	_ =	shalt  }
0x7e: {  	_ =	shalt  }
0x7f: {  	_ =	shalt  }
0x80: {  	_ =	shalt  }
0x81: {  	_ =	shalt  }
0x82: {  	_ =	shalt  }
0x83: {  	_ =	shalt  }
0x84: {  	_ =	shalt  }
0x85: {  	_ =	shalt  }
0x86: {  	_ =	shalt  }
0x87: {  	_ =	shalt  }
.Lfunc_end0:
.L_simem_size_0:
called_computation_lowered:
.L_overlay_start_0:
0x88: {  	s2 =	sld [smem:$0x3FD9]  }
0x89: {  	s3 =	sld [smem:$0x3FFE];
	_ =	sdelay $0x1  }
0x8a: {  	s1 =	srdreg.scid  }
0x8b: {  	s0 =	sand.u32 $0x1, s1  }
0x8c: {  	s17 =	sshll.u32 s0, $0xA;
	s2 =	sadd.s32 s3, s2  }
0x8d: {  	s2 =	sadd.s32 s2, s17  }
0x8e: {  	[smem:$0x3FC4] =	sst s2  }
0x8f: {  	_ = 	snop  }
0x90: {  	s2 =	sld [smem:$0x3FD0];
	(tm) =	ssettm $0x1  }
0x91: {  	s18 =	sld [smem:$0x3FFB];
	_ =	sdelay $0x3  }
0x92: {  	_ =	strace s18  }
0x93: {  	s3 =	sld [smem:$0x3FFC];
	_ =	sdelay $0x3  }
0x94: {  	_ =	strace s3  }
0x95: {  	s3 =	sld [smem:$0x3FFD];
	_ =	sdelay $0x3  }
0x96: {  	_ =	strace s3  }
0x97: {  	_ =	strace $0x8FFFFFFF  }
0x98: {  	s19 =	sld [smem:$0x3FDB];
	_ =	sdelay $0x1  }
0x99: {  	s4 =	simm.s32 $_scs_section_size  }
0x9a: {  	s5 =	simm.s32 $_size__tile_overlayer_lowered;
	s6 =	simm.s32 $_tile_overlayer_lowered  }
0x9b: {  	s22 =	simm.s32 $0x1BFF;
	s21 =	sshll.u32 s6, $0x1;
	s3 =	sadd.s32 s4, s19  }
0x9c: {  	s7 =	simm.s32 $0x0;
	s20 =	sshll.u32 s5, $0x1;
	s5 =	sadd.s32 s21, s3  }
0x9d: {  	[timem:s7], [sflag:s22] =	dma.local [hbm:s5], s20  }
0x9e: {  	_ =	swait.ge [sflag:s22], s20  }
0x9f: {  	s4 =	ssub.s32 $0x0, s20;
	[sflag:s22] =	ssyncset.done $0x0  }
0xa0: {  	[sflag:s22] =	ssyncadd.s32 s4;
	_ =	sdelay $0x1  }
0xa1: {  	s23 =	simm.s32 $0x1B8B  }
0xa2: {  	_ =	swait.ge [sflag:s23], $0x1  }
0xa3: {  	[sflag:s23] =	ssyncset.done $0x0  }
0xa4: {  	s25 =	simm.s32 $0x1B8E;
	s24 =	sld [smem:$0x3FFE];
	[sflag:s23] =	ssyncadd.s32 $0xFFFFFFFF  }
0xa5: {  	s26 =	simm.s32 $execute0_lowered;
	[smem:$0x3FD2] =	sst s25  }
0xa6: {  	s5 =	sshll.u32 s26, $0x1;
	_ =	strace $0x80000046;
	[dreg:$0x1] =	wrdreg $0xFFFFFFFF  }
0xa7: {  	s28 =	simm.s32 $_size_execute0_lowered;
	s3 =	sadd.s32 s3, s5;
	[dreg:$0x0] =	wrdreg $0x0  }
0xa8: {  	s5 =	sshll.u32 s28, $0x1;
	[dreg:$0x2] =	wrdreg s3  }
0xa9: {  	[dreg:$0x3] =	wrdreg s5  }
0xaa: {  	[dreg:$0x4] =	wrdreg $0xC0  }
0xab: {  	_ =	task [dreg:s7], $0x5FFFF  }
0xac: {  	[dreg:$0x1] =	wrdreg $0xFFFFFFFF  }
0xad: {  	[dreg:$0x0] =	wrdreg $0x60  }
0xae: {  	[dreg:$0x2] =	wrdreg s24  }
0xaf: {  	[dreg:$0x3] =	wrdreg s2  }
0xb0: {  	[dreg:$0x4] =	wrdreg $0x9  }
0xb1: {  	_ =	task.clear_ibuf [dreg:s7], $0x5FFFF;
	_ =	strace $0x90000046  }
0xb2: {  	s29 =	simm.s32 $0x9;
	_ =	strace $0x80000048  }
0xb3: {  	_ =	swait.ge [sflag:s29], $0x1  }
0xb4: {  	[sflag:s29] =	ssyncadd.s32 $0xFFFFFFFF  }
0xb5: {  	_ =	strace $0x90000048  }
0xb6: {  	_ =	sfence  }
0xb7: {  	s30 =	sld [smem:$0x0];
	_ =	sdelay $0x2  }
0xb8: {  	s31 =	sshll.u32 s1, $0xD;
	s1 =	sshrl.u32 s1, $0x2  }
0xb9: {  	s3 =	sand.u32 $0x4000, s31;
	s1 =	sadd.s32 s1, s30  }
0xba: {  	s0 =	sor.u32 s3, s0;
	s1 =	sshll.u32 s1, $0x11  }
0xbb: {  	s0 =	sor.u32 s1, s0  }
0xbc: {  	s0 =	sadd.s32 $0x8F2B, s0  }
0xbd: {  	[sflag:s0] =	ssyncadd.remote.s32 $0x1  }
0xbe: {  	_ =	sfence.sel $0xFFFF  }
0xbf: {  	[dreg:$0x0] =	wrdreg $0xFFFFFFFF;
	(pc) =	sbr.abs _section_cstart, $3  }
0xc0: {  	[dreg:$0x1] =	wrdreg $0xFFFFFFFF  }
0xc1: {  	_ =	task.clear_ibuf [dreg:s7], $0x2FFFF;
	_ =	strace $0x9FFFFFFF  }
0xc2: {  	(tm) =	ssettm $0x7FFFFFFF  }
0xc3: {  	_ =	shalt  }
tec
execute0_lowered:
.L_overlay_start_1:
0x0: {  	(tag) =	ssettag $0x1  }
0x1: {  	s6 =	rddreg [dreg:$0x0]  }
0x2: {  	s7 =	rddreg [dreg:$0x1]  }
0x3: {  	s0 =	rddreg [dreg:$0x2];
	s1 =	simm.s32 $0x0;
	s8 =	srdreg.scid  }
0x4: {  	s2 =	stileid.u32;
	s13 =	simm.s32 $0x100;
	s14 =	simm.s32 $0x400  }
0x5: {  	s15 =	simm.s32 $0x0;
	[smem:$0x7FF] =	sst s1;
	s3 =	sadd.s32 $0x1C00, s6  }
0x6: {  	s4 =	sadd.s32 $0xBC00, s6;
	s5 =	sadd.s32 $0x15C00, s6;
	s6 =	sadd.s32 $0x16400, s6  }
0x7: {  	s8 =	sand.u32 $0x1, s8;
	s9 =	sshll.u32 s2, $0x1;
	s30 =	sshll.u32 s2, $0xC  }
0x8: {  	_ =	strace $0x80000047;
	s10 =	ssub.s32 $0x2, s8;
	s8 =	sor.u32 s8, s9  }
0x9: {  	s9 =	sand.u32 $0xC000, s30;
	s11 =	sshrl.u32 s10, $0x1;
	s12 =	sshll.u32 s8, $0x4  }
0xa: {  	s9 =	sadd.s32 s7, s9;
	s7 =	smul.u32 $0x2800, s8;
	s10 =	ssub.s32 s10, s11  }
0xb: {  	s31 =	sand.u32 $0x70, s12;
	s11 =	simm.s32 $0x1;
	s12 =	simm.s32 $0x80  }
0xc: {  	v0 =	vimm.f32 $1.000000000e+00;
	s8 =	sadd.s32 s31, s9;
	s9 =	smax.u32 s10, $0x1;
	s10 =	simm.s32 $0x180  }
.LBB2_1:
0xd: {  	[tilespmem:s10], [sflag:$0x1] =	stream.linear.gather [hbm4b:s5+s1], $0x4000, $0x38;
	[tilespmem:$0x4180] =	vst v63  }
0xe: {  	_ =	swait.ge [sflag:s11], $0x4000  }
0xf: {  	[sflag:s11] =	ssyncset.done $0x0  }
0x10: {  	s16 =	simm.s32 $0x0;
	[sflag:s11] =	ssyncadd.s32 $0xFFFFC000  }
.LBB2_2:
0x11: {  	s17 =	sand.u32 $0x3C00, s16  }
0x12: {  	s18 =	sand.u32 $0x380, s16;
	s17 =	sadd.s32 s7, s17  }
0x13: {  	s17 =	sor.u32 s18, s17  }
0x14: {  	s17 =	sshrl.u32 s17, $0x3  }
0x15: {  	s30 =	sadd.s32 s3, s17  }
0x16: {  	[tilespmem:s1], [sflag:$0x1] =	stream.linear.gather [hbm4b:s30+s1], $0x80, $0x38;
	[tilespmem:$0x4180] =	vst v63  }
0x17: {  	_ =	swait.ge [sflag:s11], $0x80  }
0x18: {  	[sflag:s11] =	ssyncset.done $0x0  }
0x19: {  	s31 =	sadd.s32 s4, s17;
	[sflag:s11] =	ssyncadd.s32 $0xFFFFFF80  }
0x1a: {  	[tilespmem:s12], [sflag:$0x1] =	stream.linear.gather [hbm4b:s31+s1], $0x80, $0x38;
	[tilespmem:$0x4180] =	vst v63  }
0x1b: {  	_ =	swait.ge [sflag:s11], $0x80  }
0x1c: {  	[sflag:s11] =	ssyncset.done $0x0  }
0x1d: {  	[sflag:s11] =	ssyncadd.s32 $0xFFFFFF80  }
0x1e: {  	v1 =	vld [tilespmem:$0x0]  }
0x1f: {  	v2 =	vld [tilespmem:$0x80];
	_ =	sdelay $0x4  }
0x20: {  	vm0 =	veq.s32 v1, v2  }
0x21: {  	v1 =	vsel vm0, $0x2710, v2;
	_ =	sdelay $0x3  }
0x22: {  	[tilespmem:$0x100] =	vst v1  }
0x23: {  	[tilespmem:v1+s10+$0x0] =	vst.idx.add.f32.msk $0xffff, v0  }
0x24: {  	v1 =	vld [tilespmem:$0x10]  }
0x25: {  	v2 =	vld [tilespmem:$0x90];
	_ =	sdelay $0x4  }
0x26: {  	vm9 =	veq.s32 v1, v2  }
0x27: {  	v1 =	vsel vm9, $0x2710, v2;
	_ =	sdelay $0x3  }
0x28: {  	[tilespmem:$0x110] =	vst v1  }
0x29: {  	[tilespmem:v1+s10+$0x0] =	vst.idx.add.f32.msk $0xffff, v0  }
0x2a: {  	v1 =	vld [tilespmem:$0x20]  }
0x2b: {  	v2 =	vld [tilespmem:$0xA0];
	_ =	sdelay $0x4  }
0x2c: {  	vm10 =	veq.s32 v1, v2  }
0x2d: {  	v1 =	vsel vm10, $0x2710, v2;
	_ =	sdelay $0x3  }
0x2e: {  	[tilespmem:$0x120] =	vst v1  }
0x2f: {  	[tilespmem:v1+s10+$0x0] =	vst.idx.add.f32.msk $0xffff, v0  }
0x30: {  	v1 =	vld [tilespmem:$0x30]  }
0x31: {  	v2 =	vld [tilespmem:$0xB0];
	_ =	sdelay $0x4  }
0x32: {  	vm11 =	veq.s32 v1, v2  }
0x33: {  	v1 =	vsel vm11, $0x2710, v2;
	_ =	sdelay $0x3  }
0x34: {  	[tilespmem:$0x130] =	vst v1  }
0x35: {  	[tilespmem:v1+s10+$0x0] =	vst.idx.add.f32.msk $0xffff, v0  }
0x36: {  	v1 =	vld [tilespmem:$0x40]  }
0x37: {  	v2 =	vld [tilespmem:$0xC0];
	_ =	sdelay $0x4  }
0x38: {  	vm12 =	veq.s32 v1, v2  }
0x39: {  	v1 =	vsel vm12, $0x2710, v2;
	_ =	sdelay $0x3  }
0x3a: {  	[tilespmem:$0x140] =	vst v1  }
0x3b: {  	[tilespmem:v1+s10+$0x0] =	vst.idx.add.f32.msk $0xffff, v0  }
0x3c: {  	v1 =	vld [tilespmem:$0x50]  }
0x3d: {  	v2 =	vld [tilespmem:$0xD0];
	_ =	sdelay $0x4  }
0x3e: {  	vm13 =	veq.s32 v1, v2  }
0x3f: {  	v1 =	vsel vm13, $0x2710, v2;
	_ =	sdelay $0x3  }
0x40: {  	[tilespmem:$0x150] =	vst v1  }
0x41: {  	[tilespmem:v1+s10+$0x0] =	vst.idx.add.f32.msk $0xffff, v0  }
0x42: {  	v1 =	vld [tilespmem:$0x60]  }
0x43: {  	v2 =	vld [tilespmem:$0xE0];
	_ =	sdelay $0x4  }
0x44: {  	vm14 =	veq.s32 v1, v2  }
0x45: {  	v1 =	vsel vm14, $0x2710, v2;
	_ =	sdelay $0x3  }
0x46: {  	[tilespmem:$0x160] =	vst v1  }
0x47: {  	[tilespmem:v1+s10+$0x0] =	vst.idx.add.f32.msk $0xffff, v0  }
0x48: {  	v1 =	vld [tilespmem:$0x70]  }
0x49: {  	v2 =	vld [tilespmem:$0xF0];
	_ =	sdelay $0x4  }
0x4a: {  	vm15 =	veq.s32 v1, v2  }
0x4b: {  	v1 =	vsel vm15, $0x2710, v2;
	_ =	sdelay $0x3  }
0x4c: {  	p0 =	sne.s32 s16, $0x2700;
	[tilespmem:$0x170] =	vst v1  }
.Ltmp0:
0x4d: {  	s17 =	sadd.s32 s6, s17;
	[tilespmem:v1+s10+$0x0] =	vst.idx.add.f32.msk $0xffff, v0;
	(pc) =	sbr.rel @p0 .LBB2_2-.Ltmp0, $4  }
0x4e: {  	[hbm4b:s17+s1] =	stream.linear.scatter [tilespmem:s13], [sflag:$0x1], $0x80, $0x38;
	[tilespmem:$0x4180] =	vst v63  }
0x4f: {  	_ =	swait.ge [sflag:s11], $0x80  }
0x50: {  	[sflag:s11] =	ssyncset.done $0x0  }
0x51: {  	s16 =	sadd.s32 $0x80, s16;
	[sflag:s11] =	ssyncadd.s32 $0xFFFFFF80  }
0x52: {  	s15 =	sadd.s32 $0x1, s15  }
0x53: {  	p0 =	sne.s32 s15, s9  }
.Ltmp1:
0x54: {  	_ = 	snop;
	(pc) =	sbr.rel @p0 .LBB2_1-.Ltmp1, $4  }
0x55: {  	[hbm4b:s8+s12] =	stream.strided.scatter [tilespmem:s10], [sflag:$0x1], $0x4000, s14, s12, $0x38;
	[tilespmem:$0x4180] =	vst v63  }
0x56: {  	_ =	swait.ge [sflag:s11], $0x4000  }
0x57: {  	[sflag:s11] =	ssyncset.done $0x0  }
0x58: {  	[sflag:s11] =	ssyncadd.s32 $0xFFFFC000  }
0x59: {  	_ =	sfence.sel $0x180000  }
0x5a: {  	[bflag:$0x0] =	sbarrier.arrive $0xFFFF  }
0x5b: {  	p0 =	sne.s32 s2, $0x0;
	_ =	strace $0x90000047  }
0x5c: {  	s0 =	sadd.s32 @!p0 $0x100000, s0;
	[bflag:$0x2] =	sbarrier.arrive $0xFFFF  }
0x5d: {  	[sflag:s0] =	ssyncadd.tile.s32 @!p0 $0x1;
	_ =	shalt  }
.Lfunc_end2:
_tile_overlayer_lowered:
.L_overlay_start_2:
0x5e: {  	(tag) =	ssettag $0x2  }
0x5f: {  	s0 =	rddreg [dreg:$0x0];
	s2 =	stileid.u32  }
0x60: {  	s1 =	rddreg [dreg:$0x1];
	p0 =	sne.s32 s2, $0x0  }
0x61: {  	s3 =	rddreg [dreg:$0x2];
	[bflag:$0x3] =	sbarrier.arrive $0xFFFF;
	s2 =	simm.s32 @!p0 $0x1C01  }
0x62: {  	[timem:s3], [sflag:s2] =	dma.local @!p0 [hbm:s0], s1  }
0x63: {  	s0 =	simm.s32 @!p0 $0x1  }
0x64: {  	_ =	swait.ge @!p0 [sflag:s0], s1  }
0x65: {  	s1 =	ssub.s32 @!p0 $0x0, s1;
	[sflag:s0] =	ssyncset.done @!p0 $0x0  }
0x66: {  	[sflag:s0] =	ssyncadd.s32 @!p0 s1  }
0x67: {  	[bflag:$0x3] =	sbarrier.arrive $0xFFFF  }
0x68: {  	_ =	shalt  }

</sc_bundles>
